<compile_context>
chip_gen: v7x
topology: tpu7x:2x2x1
jax: 0.10.2.dev20260603
libtpu: 0.0.44.dev20260713+nightly
codegen_flags: <defaults>
</compile_context>

<pallas_src>
import functools

import jax
import jax.numpy as jnp
from jax import lax
from jax.experimental import pallas as pl
from jax.experimental.pallas import tpu as pltpu
from jax.experimental.pallas import tpu_sc as plsc

_NUM_NODES = 10000
_B = 1_000_000
_B_PAD = 1 << 20
_NC, _NS, _L = 2, 16, 16
_NW = _NC * _NS
_PW = _B_PAD // _NW
_C = 8192
_NCH = _PW // _C


def _sc_gather(src, dst, table_flat):
    mesh = plsc.VectorSubcoreMesh(core_axis_name="c", subcore_axis_name="s")

    @functools.partial(
        pl.kernel,
        mesh=mesh,
        out_type=jax.ShapeDtypeStruct((_B_PAD,), jnp.float32),
        scratch_types=[
            pltpu.VMEM((2, _C), jnp.int32),
            pltpu.VMEM((2, _C), jnp.int32),
            pltpu.VMEM((_PW,), jnp.int32),
            pltpu.VMEM((_PW,), jnp.float32),
            pltpu.SemaphoreType.DMA,
            pltpu.SemaphoreType.DMA,
            pltpu.SemaphoreType.DMA,
        ],
    )
    def k(src_hbm, dst_hbm, tab_hbm, out_hbm, src_v, dst_v, idx_v, val_v,
          sem_in, sem_g, sem_wb):
        wid = lax.axis_index("s") * _NC + lax.axis_index("c")
        base = wid * _PW

        def stage(g, buf):
            off = base + g * _C
            a = pltpu.async_copy(src_hbm.at[pl.ds(off, _C)], src_v.at[buf],
                                 sem_in)
            b = pltpu.async_copy(dst_hbm.at[pl.ds(off, _C)], dst_v.at[buf],
                                 sem_in)
            return a, b

        pending = stage(0, 0)
        gathers = []
        for g in range(_NCH):
            buf = g % 2
            for h in pending:
                h.wait()
            if g + 1 < _NCH:
                pending = stage(g + 1, (g + 1) % 2)

            slot = g * _C

            @plsc.parallel_loop(0, _C, step=_L, unroll=8)
            def _(j, buf=buf, slot=slot):
                s = src_v[buf, pl.ds(j, _L)]
                d = dst_v[buf, pl.ds(j, _L)]
                idx_v[pl.ds(slot + j, _L)] = s * _NUM_NODES + d

            gathers.append(
                pltpu.async_copy(
                    tab_hbm.at[idx_v.at[pl.ds(slot, _C)]],
                    val_v.at[pl.ds(slot, _C)],
                    sem_g,
                )
            )
        writebacks = []
        for g in range(_NCH):
            gathers[g].wait()
            writebacks.append(
                pltpu.async_copy(val_v.at[pl.ds(g * _C, _C)],
                                 out_hbm.at[pl.ds(base + g * _C, _C)],
                                 sem_wb)
            )
        for h in writebacks:
            h.wait()

    return k(src, dst, table_flat)


def kernel(src, dst, distance_matrix):
    src = src.astype(jnp.int32)
    dst = dst.astype(jnp.int32)
    pad = _B_PAD - _B
    src_p = jnp.concatenate([src, src[:pad]])
    dst_p = jnp.concatenate([dst, dst[:pad]])
    flat = distance_matrix.reshape(-1)
    out = _sc_gather(src_p, dst_p, flat)
    return out[:_B]

# --- scband reference (transcript-rebuilt; emitter-appended) ---
"""Pipeline reference for scband-simple-embedding-model-80444737454437 (READ-ONLY COPY).

The authoritative reference and input builder live on the scoring server;
editing this copy changes nothing except your own understanding.
"""

import jax, jax.numpy as jnp
import numpy as np

NUM_NODES = 10000
NUM_SAMPLES = 1000000

def setup_inputs(seed: int = 0) -> dict:
    key = jax.random.key(seed)
    k1, k2, k3 = jax.random.split(key, 3)
    src = jax.random.randint(k1, (NUM_SAMPLES,), 0, NUM_NODES, dtype=jnp.int64 if jax.config.jax_enable_x64 else jnp.int32)
    dst = jax.random.randint(k2, (NUM_SAMPLES,), 0, NUM_NODES, dtype=jnp.int64 if jax.config.jax_enable_x64 else jnp.int32)
    distance_matrix = jax.random.normal(k3, (NUM_NODES, NUM_NODES), dtype=jnp.float32)
    return {"src": src, "dst": dst, "distance_matrix": distance_matrix}

def reference(src, dst, distance_matrix):
    # Faithful translation of torch: distance_matrix[src, dst]
    # Advanced integer indexing with two index arrays -> per-pair gather.
    return distance_matrix[src, dst]

if __name__ == "__main__":
    import jax
    _d = setup_inputs()
    print(jax.jit(kernel)(*tuple(_d.values())))

</pallas_src>

<mosaic_0001>
#map = affine_map<(d0, d1) -> (0)>
module attributes {stable_mosaic.version = 14 : i64} {
  func.func @k(%arg0: i32, %arg1: i32, %arg2: memref<1048576xi32, #tpu.memory_space<hbm>>, %arg3: memref<1048576xi32, #tpu.memory_space<hbm>>, %arg4: memref<100000000xf32, #tpu.memory_space<hbm>>, %arg5: memref<1048576xf32, #tpu.memory_space<hbm>>, %arg6: memref<2x8192xi32, #tpu.memory_space<vmem>>, %arg7: memref<2x8192xi32, #tpu.memory_space<vmem>>, %arg8: memref<32768xi32, #tpu.memory_space<vmem>>, %arg9: memref<32768xf32, #tpu.memory_space<vmem>>, %arg10: memref<!tpu.dma_semaphore, #tpu.memory_space<semaphore_mem>>, %arg11: memref<!tpu.dma_semaphore, #tpu.memory_space<semaphore_mem>>, %arg12: memref<!tpu.dma_semaphore, #tpu.memory_space<semaphore_mem>>) attributes {dimension_semantics = [#tpu.dimension_semantics<core_parallel>, #tpu.dimension_semantics<subcore_parallel>], iteration_bounds = array<i64: 2, 16>, scalar_prefetch = 0 : i64, scratch_operands = 7 : i64, tpu.core_type = #tpu.core_type<sc_vector_subcore>, window_params = [{transform_indices = #map}, {transform_indices = #map}, {transform_indices = #map}, {transform_indices = #map}]} {
    %mul3A = arith.constant 2 : i32
    %mul3A_0 = arith.muli %arg1, %mul3A : i32
    %add3A = arith.addi %mul3A_0, %arg0 : i32
    %mul3A_1 = arith.constant 32768 : i32
    %mul3A_2 = arith.muli %add3A, %mul3A_1 : i32
    %add3A_3 = arith.constant 0 : i32
    %add3A_4 = arith.addi %mul3A_2, %add3A_3 : i32
    %dma_start3A = arith.constant 0 : i32
    %dma_start3A_5 = arith.constant 0 : i32
    %dma_start3A_6 = tpu.memref_slice %arg6[%dma_start3A, %dma_start3A_5] : memref<2x8192xi32, #tpu.memory_space<vmem>> -> memref<1x8192xi32, #tpu.memory_space<vmem>>
    %dma_start3A_7 = tpu.memref_squeeze %dma_start3A_6 : memref<1x8192xi32, #tpu.memory_space<vmem>> -> memref<8192xi32, #tpu.memory_space<vmem>>
    %dma_start3A_8 = tpu.memref_slice %arg2[%add3A_4] : memref<1048576xi32, #tpu.memory_space<hbm>> -> memref<8192xi32, #tpu.memory_space<hbm>>
    %dma_start3A_9 = arith.constant 0 : i32
    %dma_start3A_10 = tpu.memref_slice %arg6[%dma_start3A, %dma_start3A_9] : memref<2x8192xi32, #tpu.memory_space<vmem>> -> memref<1x8192xi32, #tpu.memory_space<vmem>>
    %dma_start3A_11 = tpu.memref_squeeze %dma_start3A_10 : memref<1x8192xi32, #tpu.memory_space<vmem>> -> memref<8192xi32, #tpu.memory_space<vmem>>
    %dma_start3A_12 = tpu.memref_slice %arg2[%add3A_4] : memref<1048576xi32, #tpu.memory_space<hbm>> -> memref<8192xi32, #tpu.memory_space<hbm>>
    tpu.enqueue_dma source(%dma_start3A_12 : memref<8192xi32, #tpu.memory_space<hbm>>) target(%dma_start3A_11 : memref<8192xi32, #tpu.memory_space<vmem>>) target_semaphore(%arg10 : memref<!tpu.dma_semaphore, #tpu.memory_space<semaphore_mem>>)
    %dma_start3A_13 = arith.constant 0 : i32
    %dma_start3A_14 = arith.constant 0 : i32
    %dma_start3A_15 = tpu.memref_slice %arg7[%dma_start3A_13, %dma_start3A_14] : memref<2x8192xi32, #tpu.memory_space<vmem>> -> memref<1x8192xi32, #tpu.memory_space<vmem>>
    %dma_start3A_16 = tpu.memref_squeeze %dma_start3A_15 : memref<1x8192xi32, #tpu.memory_space<vmem>> -> memref<8192xi32, #tpu.memory_space<vmem>>
    %dma_start3A_17 = tpu.memref_slice %arg3[%add3A_4] : memref<1048576xi32, #tpu.memory_space<hbm>> -> memref<8192xi32, #tpu.memory_space<hbm>>
    %dma_start3A_18 = arith.constant 0 : i32
    %dma_start3A_19 = tpu.memref_slice %arg7[%dma_start3A_13, %dma_start3A_18] : memref<2x8192xi32, #tpu.memory_space<vmem>> -> memref<1x8192xi32, #tpu.memory_space<vmem>>
    %dma_start3A_20 = tpu.memref_squeeze %dma_start3A_19 : memref<1x8192xi32, #tpu.memory_space<vmem>> -> memref<8192xi32, #tpu.memory_space<vmem>>
    %dma_start3A_21 = tpu.memref_slice %arg3[%add3A_4] : memref<1048576xi32, #tpu.memory_space<hbm>> -> memref<8192xi32, #tpu.memory_space<hbm>>
    tpu.enqueue_dma source(%dma_start3A_21 : memref<8192xi32, #tpu.memory_space<hbm>>) target(%dma_start3A_20 : memref<8192xi32, #tpu.memory_space<vmem>>) target_semaphore(%arg10 : memref<!tpu.dma_semaphore, #tpu.memory_space<semaphore_mem>>)
    %dma_wait3A = arith.constant 0 : i32
    %dma_wait3A_22 = arith.constant 0 : i32
    %dma_wait3A_23 = tpu.memref_slice %arg6[%dma_wait3A, %dma_wait3A_22] : memref<2x8192xi32, #tpu.memory_space<vmem>> -> memref<1x8192xi32, #tpu.memory_space<vmem>>
    %dma_wait3A_24 = tpu.memref_squeeze %dma_wait3A_23 : memref<1x8192xi32, #tpu.memory_space<vmem>> -> memref<8192xi32, #tpu.memory_space<vmem>>
    %dma_wait3A_25 = tpu.memref_slice %arg2[%add3A_4] : memref<1048576xi32, #tpu.memory_space<hbm>> -> memref<8192xi32, #tpu.memory_space<hbm>>
    %dma_wait3A_26 = arith.constant 0 : i32
    %dma_wait3A_27 = tpu.memref_slice %arg6[%dma_wait3A, %dma_wait3A_26] : memref<2x8192xi32, #tpu.memory_space<vmem>> -> memref<1x8192xi32, #tpu.memory_space<vmem>>
    %dma_wait3A_28 = tpu.memref_squeeze %dma_wait3A_27 : memref<1x8192xi32, #tpu.memory_space<vmem>> -> memref<8192xi32, #tpu.memory_space<vmem>>
    %dma_wait3A_29 = tpu.memref_slice %arg2[%add3A_4] : memref<1048576xi32, #tpu.memory_space<hbm>> -> memref<8192xi32, #tpu.memory_space<hbm>>
    tpu.wait_dma2 semaphore(%arg10 : memref<!tpu.dma_semaphore, #tpu.memory_space<semaphore_mem>>) src(%dma_wait3A_29 : memref<8192xi32, #tpu.memory_space<hbm>>) dst(%dma_wait3A_28 : memref<8192xi32, #tpu.memory_space<vmem>>)
    %dma_wait3A_30 = arith.constant 0 : i32
    %dma_wait3A_31 = arith.constant 0 : i32
    %dma_wait3A_32 = tpu.memref_slice %arg7[%dma_wait3A_30, %dma_wait3A_31] : memref<2x8192xi32, #tpu.memory_space<vmem>> -> memref<1x8192xi32, #tpu.memory_space<vmem>>
    %dma_wait3A_33 = tpu.memref_squeeze %dma_wait3A_32 : memref<1x8192xi32, #tpu.memory_space<vmem>> -> memref<8192xi32, #tpu.memory_space<vmem>>
    %dma_wait3A_34 = tpu.memref_slice %arg3[%add3A_4] : memref<1048576xi32, #tpu.memory_space<hbm>> -> memref<8192xi32, #tpu.memory_space<hbm>>
    %dma_wait3A_35 = arith.constant 0 : i32
    %dma_wait3A_36 = tpu.memref_slice %arg7[%dma_wait3A_30, %dma_wait3A_35] : memref<2x8192xi32, #tpu.memory_space<vmem>> -> memref<1x8192xi32, #tpu.memory_space<vmem>>
    %dma_wait3A_37 = tpu.memref_squeeze %dma_wait3A_36 : memref<1x8192xi32, #tpu.memory_space<vmem>> -> memref<8192xi32, #tpu.memory_space<vmem>>
    %dma_wait3A_38 = tpu.memref_slice %arg3[%add3A_4] : memref<1048576xi32, #tpu.memory_space<hbm>> -> memref<8192xi32, #tpu.memory_space<hbm>>
    tpu.wait_dma2 semaphore(%arg10 : memref<!tpu.dma_semaphore, #tpu.memory_space<semaphore_mem>>) src(%dma_wait3A_38 : memref<8192xi32, #tpu.memory_space<hbm>>) dst(%dma_wait3A_37 : memref<8192xi32, #tpu.memory_space<vmem>>)
    %add3A_39 = arith.constant 8192 : i32
    %add3A_40 = arith.addi %mul3A_2, %add3A_39 : i32
    %dma_start3A_41 = arith.constant 1 : i32
    %dma_start3A_42 = arith.constant 0 : i32
    %dma_start3A_43 = tpu.memref_slice %arg6[%dma_start3A_41, %dma_start3A_42] : memref<2x8192xi32, #tpu.memory_space<vmem>> -> memref<1x8192xi32, #tpu.memory_space<vmem>>
    %dma_start3A_44 = tpu.memref_squeeze %dma_start3A_43 : memref<1x8192xi32, #tpu.memory_space<vmem>> -> memref<8192xi32, #tpu.memory_space<vmem>>
    %dma_start3A_45 = tpu.memref_slice %arg2[%add3A_40] : memref<1048576xi32, #tpu.memory_space<hbm>> -> memref<8192xi32, #tpu.memory_space<hbm>>
    %dma_start3A_46 = arith.constant 0 : i32
    %dma_start3A_47 = tpu.memref_slice %arg6[%dma_start3A_41, %dma_start3A_46] : memref<2x8192xi32, #tpu.memory_space<vmem>> -> memref<1x8192xi32, #tpu.memory_space<vmem>>
    %dma_start3A_48 = tpu.memref_squeeze %dma_start3A_47 : memref<1x8192xi32, #tpu.memory_space<vmem>> -> memref<8192xi32, #tpu.memory_space<vmem>>
    %dma_start3A_49 = tpu.memref_slice %arg2[%add3A_40] : memref<1048576xi32, #tpu.memory_space<hbm>> -> memref<8192xi32, #tpu.memory_space<hbm>>
    tpu.enqueue_dma source(%dma_start3A_49 : memref<8192xi32, #tpu.memory_space<hbm>>) target(%dma_start3A_48 : memref<8192xi32, #tpu.memory_space<vmem>>) target_semaphore(%arg10 : memref<!tpu.dma_semaphore, #tpu.memory_space<semaphore_mem>>)
    %dma_start3A_50 = arith.constant 1 : i32
    %dma_start3A_51 = arith.constant 0 : i32
    %dma_start3A_52 = tpu.memref_slice %arg7[%dma_start3A_50, %dma_start3A_51] : memref<2x8192xi32, #tpu.memory_space<vmem>> -> memref<1x8192xi32, #tpu.memory_space<vmem>>
    %dma_start3A_53 = tpu.memref_squeeze %dma_start3A_52 : memref<1x8192xi32, #tpu.memory_space<vmem>> -> memref<8192xi32, #tpu.memory_space<vmem>>
    %dma_start3A_54 = tpu.memref_slice %arg3[%add3A_40] : memref<1048576xi32, #tpu.memory_space<hbm>> -> memref<8192xi32, #tpu.memory_space<hbm>>
    %dma_start3A_55 = arith.constant 0 : i32
    %dma_start3A_56 = tpu.memref_slice %arg7[%dma_start3A_50, %dma_start3A_55] : memref<2x8192xi32, #tpu.memory_space<vmem>> -> memref<1x8192xi32, #tpu.memory_space<vmem>>
    %dma_start3A_57 = tpu.memref_squeeze %dma_start3A_56 : memref<1x8192xi32, #tpu.memory_space<vmem>> -> memref<8192xi32, #tpu.memory_space<vmem>>
    %dma_start3A_58 = tpu.memref_slice %arg3[%add3A_40] : memref<1048576xi32, #tpu.memory_space<hbm>> -> memref<8192xi32, #tpu.memory_space<hbm>>
    tpu.enqueue_dma source(%dma_start3A_58 : memref<8192xi32, #tpu.memory_space<hbm>>) target(%dma_start3A_57 : memref<8192xi32, #tpu.memory_space<vmem>>) target_semaphore(%arg10 : memref<!tpu.dma_semaphore, #tpu.memory_space<semaphore_mem>>)
    %parallel_loop3A = arith.constant 0 : i32
    %parallel_loop3A_59 = arith.constant 8192 : i32
    %parallel_loop3A_60 = arith.constant 16 : i32
    scf.for %parallel_loop3A_268 = %parallel_loop3A to %parallel_loop3A_59 step %parallel_loop3A_60  : i32 {
      %parallel_loop3A_269 = arith.constant 0 : i32
      %parallel_loop3A_270 = arith.index_cast %parallel_loop3A_269 : i32 to index
      %parallel_loop3A_271 = arith.index_cast %parallel_loop3A_268 : i32 to index
      %parallel_loop3A_272 = tpu.vector_load %arg6[%parallel_loop3A_270, %parallel_loop3A_271] {strides = array<i32>} : memref<2x8192xi32, #tpu.memory_space<vmem>>, vector<1x16xi32>,
      %parallel_loop3A_273 = vector.shape_cast %parallel_loop3A_272 : vector<1x16xi32> to vector<16xi32>
      %parallel_loop3A_274 = arith.constant 0 : i32
      %parallel_loop3A_275 = arith.index_cast %parallel_loop3A_274 : i32 to index
      %parallel_loop3A_276 = arith.index_cast %parallel_loop3A_268 : i32 to index
      %parallel_loop3A_277 = tpu.vector_load %arg7[%parallel_loop3A_275, %parallel_loop3A_276] {strides = array<i32>} : memref<2x8192xi32, #tpu.memory_space<vmem>>, vector<1x16xi32>,
      %parallel_loop3A_278 = vector.shape_cast %parallel_loop3A_277 : vector<1x16xi32> to vector<16xi32>
      %parallel_loop3A_279 = arith.constant 10000 : i32
      %parallel_loop3A_280 = vector.broadcast %parallel_loop3A_279 : i32 to vector<16xi32>
      %parallel_loop3A_281 = arith.muli %parallel_loop3A_273, %parallel_loop3A_280 : vector<16xi32>
      %parallel_loop3A_282 = arith.addi %parallel_loop3A_281, %parallel_loop3A_278 : vector<16xi32>
      %parallel_loop3A_283 = arith.constant 0 : i32
      %parallel_loop3A_284 = arith.addi %parallel_loop3A_283, %parallel_loop3A_268 : i32
      %parallel_loop3A_285 = arith.index_cast %parallel_loop3A_284 : i32 to index
      %parallel_loop3A_286 = tpu.vector_load %arg8[%parallel_loop3A_285] {strides = array<i32>} : memref<32768xi32, #tpu.memory_space<vmem>>, vector<16xi32>,
      %parallel_loop3A_287 = vector.shape_cast %parallel_loop3A_286 : vector<16xi32> to vector<16xi32>
      %parallel_loop3A_288 = vector.shape_cast %parallel_loop3A_282 : vector<16xi32> to vector<16xi32>
      tpu.vector_store %arg8[%parallel_loop3A_285], %parallel_loop3A_288 {strides = array<i32>} : memref<32768xi32, #tpu.memory_space<vmem>>, vector<16xi32>,
    } {sc.loop_unroll_factor = 8 : i64, sc.parallel_access}
    %dma_start3A_61 = arith.constant 0 : i32
    %dma_start3A_62 = tpu.memref_slice %arg9[%dma_start3A_61] : memref<32768xf32, #tpu.memory_space<vmem>> -> memref<8192xf32, #tpu.memory_space<vmem>>
    %dma_start3A_63 = arith.constant 0 : i32
    %dma_start3A_64 = tpu.memref_slice %arg8[%dma_start3A_63] : memref<32768xi32, #tpu.memory_space<vmem>> -> memref<8192xi32, #tpu.memory_space<vmem>>
    %dma_start3A_65 = arith.constant 0 : i32
    %dma_start3A_66 = tpu.memref_slice %arg4[%dma_start3A_65] : memref<100000000xf32, #tpu.memory_space<hbm>> -> memref<100000000xf32, #tpu.memory_space<hbm>>
    tpu.enqueue_indirect_dma source(%dma_start3A_66 : memref<100000000xf32, #tpu.memory_space<hbm>>) target(%dma_start3A_62 : memref<8192xf32, #tpu.memory_space<vmem>>) offsets(%dma_start3A_64 : memref<8192xi32, #tpu.memory_space<vmem>>) semaphore(%arg11 : memref<!tpu.dma_semaphore, #tpu.memory_space<semaphore_mem>>)
    %dma_wait3A_67 = arith.constant 1 : i32
    %dma_wait3A_68 = arith.constant 0 : i32
    %dma_wait3A_69 = tpu.memref_slice %arg6[%dma_wait3A_67, %dma_wait3A_68] : memref<2x8192xi32, #tpu.memory_space<vmem>> -> memref<1x8192xi32, #tpu.memory_space<vmem>>
    %dma_wait3A_70 = tpu.memref_squeeze %dma_wait3A_69 : memref<1x8192xi32, #tpu.memory_space<vmem>> -> memref<8192xi32, #tpu.memory_space<vmem>>
    %dma_wait3A_71 = tpu.memref_slice %arg2[%add3A_40] : memref<1048576xi32, #tpu.memory_space<hbm>> -> memref<8192xi32, #tpu.memory_space<hbm>>
    %dma_wait3A_72 = arith.constant 0 : i32
    %dma_wait3A_73 = tpu.memref_slice %arg6[%dma_wait3A_67, %dma_wait3A_72] : memref<2x8192xi32, #tpu.memory_space<vmem>> -> memref<1x8192xi32, #tpu.memory_space<vmem>>
    %dma_wait3A_74 = tpu.memref_squeeze %dma_wait3A_73 : memref<1x8192xi32, #tpu.memory_space<vmem>> -> memref<8192xi32, #tpu.memory_space<vmem>>
    %dma_wait3A_75 = tpu.memref_slice %arg2[%add3A_40] : memref<1048576xi32, #tpu.memory_space<hbm>> -> memref<8192xi32, #tpu.memory_space<hbm>>
    tpu.wait_dma2 semaphore(%arg10 : memref<!tpu.dma_semaphore, #tpu.memory_space<semaphore_mem>>) src(%dma_wait3A_75 : memref<8192xi32, #tpu.memory_space<hbm>>) dst(%dma_wait3A_74 : memref<8192xi32, #tpu.memory_space<vmem>>)
    %dma_wait3A_76 = arith.constant 1 : i32
    %dma_wait3A_77 = arith.constant 0 : i32
    %dma_wait3A_78 = tpu.memref_slice %arg7[%dma_wait3A_76, %dma_wait3A_77] : memref<2x8192xi32, #tpu.memory_space<vmem>> -> memref<1x8192xi32, #tpu.memory_space<vmem>>
    %dma_wait3A_79 = tpu.memref_squeeze %dma_wait3A_78 : memref<1x8192xi32, #tpu.memory_space<vmem>> -> memref<8192xi32, #tpu.memory_space<vmem>>
    %dma_wait3A_80 = tpu.memref_slice %arg3[%add3A_40] : memref<1048576xi32, #tpu.memory_space<hbm>> -> memref<8192xi32, #tpu.memory_space<hbm>>
    %dma_wait3A_81 = arith.constant 0 : i32
    %dma_wait3A_82 = tpu.memref_slice %arg7[%dma_wait3A_76, %dma_wait3A_81] : memref<2x8192xi32, #tpu.memory_space<vmem>> -> memref<1x8192xi32, #tpu.memory_space<vmem>>
    %dma_wait3A_83 = tpu.memref_squeeze %dma_wait3A_82 : memref<1x8192xi32, #tpu.memory_space<vmem>> -> memref<8192xi32, #tpu.memory_space<vmem>>
    %dma_wait3A_84 = tpu.memref_slice %arg3[%add3A_40] : memref<1048576xi32, #tpu.memory_space<hbm>> -> memref<8192xi32, #tpu.memory_space<hbm>>
    tpu.wait_dma2 semaphore(%arg10 : memref<!tpu.dma_semaphore, #tpu.memory_space<semaphore_mem>>) src(%dma_wait3A_84 : memref<8192xi32, #tpu.memory_space<hbm>>) dst(%dma_wait3A_83 : memref<8192xi32, #tpu.memory_space<vmem>>)
    %add3A_85 = arith.constant 16384 : i32
    %add3A_86 = arith.addi %mul3A_2, %add3A_85 : i32
    %dma_start3A_87 = arith.constant 0 : i32
    %dma_start3A_88 = arith.constant 0 : i32
    %dma_start3A_89 = tpu.memref_slice %arg6[%dma_start3A_87, %dma_start3A_88] : memref<2x8192xi32, #tpu.memory_space<vmem>> -> memref<1x8192xi32, #tpu.memory_space<vmem>>
    %dma_start3A_90 = tpu.memref_squeeze %dma_start3A_89 : memref<1x8192xi32, #tpu.memory_space<vmem>> -> memref<8192xi32, #tpu.memory_space<vmem>>
    %dma_start3A_91 = tpu.memref_slice %arg2[%add3A_86] : memref<1048576xi32, #tpu.memory_space<hbm>> -> memref<8192xi32, #tpu.memory_space<hbm>>
    %dma_start3A_92 = arith.constant 0 : i32
    %dma_start3A_93 = tpu.memref_slice %arg6[%dma_start3A_87, %dma_start3A_92] : memref<2x8192xi32, #tpu.memory_space<vmem>> -> memref<1x8192xi32, #tpu.memory_space<vmem>>
    %dma_start3A_94 = tpu.memref_squeeze %dma_start3A_93 : memref<1x8192xi32, #tpu.memory_space<vmem>> -> memref<8192xi32, #tpu.memory_space<vmem>>
    %dma_start3A_95 = tpu.memref_slice %arg2[%add3A_86] : memref<1048576xi32, #tpu.memory_space<hbm>> -> memref<8192xi32, #tpu.memory_space<hbm>>
    tpu.enqueue_dma source(%dma_start3A_95 : memref<8192xi32, #tpu.memory_space<hbm>>) target(%dma_start3A_94 : memref<8192xi32, #tpu.memory_space<vmem>>) target_semaphore(%arg10 : memref<!tpu.dma_semaphore, #tpu.memory_space<semaphore_mem>>)
    %dma_start3A_96 = arith.constant 0 : i32
    %dma_start3A_97 = arith.constant 0 : i32
    %dma_start3A_98 = tpu.memref_slice %arg7[%dma_start3A_96, %dma_start3A_97] : memref<2x8192xi32, #tpu.memory_space<vmem>> -> memref<1x8192xi32, #tpu.memory_space<vmem>>
    %dma_start3A_99 = tpu.memref_squeeze %dma_start3A_98 : memref<1x8192xi32, #tpu.memory_space<vmem>> -> memref<8192xi32, #tpu.memory_space<vmem>>
    %dma_start3A_100 = tpu.memref_slice %arg3[%add3A_86] : memref<1048576xi32, #tpu.memory_space<hbm>> -> memref<8192xi32, #tpu.memory_space<hbm>>
    %dma_start3A_101 = arith.constant 0 : i32
    %dma_start3A_102 = tpu.memref_slice %arg7[%dma_start3A_96, %dma_start3A_101] : memref<2x8192xi32, #tpu.memory_space<vmem>> -> memref<1x8192xi32, #tpu.memory_space<vmem>>
    %dma_start3A_103 = tpu.memref_squeeze %dma_start3A_102 : memref<1x8192xi32, #tpu.memory_space<vmem>> -> memref<8192xi32, #tpu.memory_space<vmem>>
    %dma_start3A_104 = tpu.memref_slice %arg3[%add3A_86] : memref<1048576xi32, #tpu.memory_space<hbm>> -> memref<8192xi32, #tpu.memory_space<hbm>>
    tpu.enqueue_dma source(%dma_start3A_104 : memref<8192xi32, #tpu.memory_space<hbm>>) target(%dma_start3A_103 : memref<8192xi32, #tpu.memory_space<vmem>>) target_semaphore(%arg10 : memref<!tpu.dma_semaphore, #tpu.memory_space<semaphore_mem>>)
    %parallel_loop3A_105 = arith.constant 0 : i32
    %parallel_loop3A_106 = arith.constant 8192 : i32
    %parallel_loop3A_107 = arith.constant 16 : i32
    scf.for %parallel_loop3A_268 = %parallel_loop3A_105 to %parallel_loop3A_106 step %parallel_loop3A_107  : i32 {
      %parallel_loop3A_269 = arith.constant 1 : i32
      %parallel_loop3A_270 = arith.index_cast %parallel_loop3A_269 : i32 to index
      %parallel_loop3A_271 = arith.index_cast %parallel_loop3A_268 : i32 to index
      %parallel_loop3A_272 = tpu.vector_load %arg6[%parallel_loop3A_270, %parallel_loop3A_271] {strides = array<i32>} : memref<2x8192xi32, #tpu.memory_space<vmem>>, vector<1x16xi32>,
      %parallel_loop3A_273 = vector.shape_cast %parallel_loop3A_272 : vector<1x16xi32> to vector<16xi32>
      %parallel_loop3A_274 = arith.constant 1 : i32
      %parallel_loop3A_275 = arith.index_cast %parallel_loop3A_274 : i32 to index
      %parallel_loop3A_276 = arith.index_cast %parallel_loop3A_268 : i32 to index
      %parallel_loop3A_277 = tpu.vector_load %arg7[%parallel_loop3A_275, %parallel_loop3A_276] {strides = array<i32>} : memref<2x8192xi32, #tpu.memory_space<vmem>>, vector<1x16xi32>,
      %parallel_loop3A_278 = vector.shape_cast %parallel_loop3A_277 : vector<1x16xi32> to vector<16xi32>
      %parallel_loop3A_279 = arith.constant 10000 : i32
      %parallel_loop3A_280 = vector.broadcast %parallel_loop3A_279 : i32 to vector<16xi32>
      %parallel_loop3A_281 = arith.muli %parallel_loop3A_273, %parallel_loop3A_280 : vector<16xi32>
      %parallel_loop3A_282 = arith.addi %parallel_loop3A_281, %parallel_loop3A_278 : vector<16xi32>
      %parallel_loop3A_283 = arith.constant 8192 : i32
      %parallel_loop3A_284 = arith.addi %parallel_loop3A_283, %parallel_loop3A_268 : i32
      %parallel_loop3A_285 = arith.index_cast %parallel_loop3A_284 : i32 to index
      %parallel_loop3A_286 = tpu.vector_load %arg8[%parallel_loop3A_285] {strides = array<i32>} : memref<32768xi32, #tpu.memory_space<vmem>>, vector<16xi32>,
      %parallel_loop3A_287 = vector.shape_cast %parallel_loop3A_286 : vector<16xi32> to vector<16xi32>
      %parallel_loop3A_288 = vector.shape_cast %parallel_loop3A_282 : vector<16xi32> to vector<16xi32>
      tpu.vector_store %arg8[%parallel_loop3A_285], %parallel_loop3A_288 {strides = array<i32>} : memref<32768xi32, #tpu.memory_space<vmem>>, vector<16xi32>,
    } {sc.loop_unroll_factor = 8 : i64, sc.parallel_access}
    %dma_start3A_108 = arith.constant 8192 : i32
    %dma_start3A_109 = tpu.memref_slice %arg9[%dma_start3A_108] : memref<32768xf32, #tpu.memory_space<vmem>> -> memref<8192xf32, #tpu.memory_space<vmem>>
    %dma_start3A_110 = arith.constant 8192 : i32
    %dma_start3A_111 = tpu.memref_slice %arg8[%dma_start3A_110] : memref<32768xi32, #tpu.memory_space<vmem>> -> memref<8192xi32, #tpu.memory_space<vmem>>
    %dma_start3A_112 = arith.constant 0 : i32
    %dma_start3A_113 = tpu.memref_slice %arg4[%dma_start3A_112] : memref<100000000xf32, #tpu.memory_space<hbm>> -> memref<100000000xf32, #tpu.memory_space<hbm>>
    tpu.enqueue_indirect_dma source(%dma_start3A_113 : memref<100000000xf32, #tpu.memory_space<hbm>>) target(%dma_start3A_109 : memref<8192xf32, #tpu.memory_space<vmem>>) offsets(%dma_start3A_111 : memref<8192xi32, #tpu.memory_space<vmem>>) semaphore(%arg11 : memref<!tpu.dma_semaphore, #tpu.memory_space<semaphore_mem>>)
    %dma_wait3A_114 = arith.constant 0 : i32
    %dma_wait3A_115 = arith.constant 0 : i32
    %dma_wait3A_116 = tpu.memref_slice %arg6[%dma_wait3A_114, %dma_wait3A_115] : memref<2x8192xi32, #tpu.memory_space<vmem>> -> memref<1x8192xi32, #tpu.memory_space<vmem>>
    %dma_wait3A_117 = tpu.memref_squeeze %dma_wait3A_116 : memref<1x8192xi32, #tpu.memory_space<vmem>> -> memref<8192xi32, #tpu.memory_space<vmem>>
    %dma_wait3A_118 = tpu.memref_slice %arg2[%add3A_86] : memref<1048576xi32, #tpu.memory_space<hbm>> -> memref<8192xi32, #tpu.memory_space<hbm>>
    %dma_wait3A_119 = arith.constant 0 : i32
    %dma_wait3A_120 = tpu.memref_slice %arg6[%dma_wait3A_114, %dma_wait3A_119] : memref<2x8192xi32, #tpu.memory_space<vmem>> -> memref<1x8192xi32, #tpu.memory_space<vmem>>
    %dma_wait3A_121 = tpu.memref_squeeze %dma_wait3A_120 : memref<1x8192xi32, #tpu.memory_space<vmem>> -> memref<8192xi32, #tpu.memory_space<vmem>>
    %dma_wait3A_122 = tpu.memref_slice %arg2[%add3A_86] : memref<1048576xi32, #tpu.memory_space<hbm>> -> memref<8192xi32, #tpu.memory_space<hbm>>
    tpu.wait_dma2 semaphore(%arg10 : memref<!tpu.dma_semaphore, #tpu.memory_space<semaphore_mem>>) src(%dma_wait3A_122 : memref<8192xi32, #tpu.memory_space<hbm>>) dst(%dma_wait3A_121 : memref<8192xi32, #tpu.memory_space<vmem>>)
    %dma_wait3A_123 = arith.constant 0 : i32
    %dma_wait3A_124 = arith.constant 0 : i32
    %dma_wait3A_125 = tpu.memref_slice %arg7[%dma_wait3A_123, %dma_wait3A_124] : memref<2x8192xi32, #tpu.memory_space<vmem>> -> memref<1x8192xi32, #tpu.memory_space<vmem>>
    %dma_wait3A_126 = tpu.memref_squeeze %dma_wait3A_125 : memref<1x8192xi32, #tpu.memory_space<vmem>> -> memref<8192xi32, #tpu.memory_space<vmem>>
    %dma_wait3A_127 = tpu.memref_slice %arg3[%add3A_86] : memref<1048576xi32, #tpu.memory_space<hbm>> -> memref<8192xi32, #tpu.memory_space<hbm>>
    %dma_wait3A_128 = arith.constant 0 : i32
    %dma_wait3A_129 = tpu.memref_slice %arg7[%dma_wait3A_123, %dma_wait3A_128] : memref<2x8192xi32, #tpu.memory_space<vmem>> -> memref<1x8192xi32, #tpu.memory_space<vmem>>
    %dma_wait3A_130 = tpu.memref_squeeze %dma_wait3A_129 : memref<1x8192xi32, #tpu.memory_space<vmem>> -> memref<8192xi32, #tpu.memory_space<vmem>>
    %dma_wait3A_131 = tpu.memref_slice %arg3[%add3A_86] : memref<1048576xi32, #tpu.memory_space<hbm>> -> memref<8192xi32, #tpu.memory_space<hbm>>
    tpu.wait_dma2 semaphore(%arg10 : memref<!tpu.dma_semaphore, #tpu.memory_space<semaphore_mem>>) src(%dma_wait3A_131 : memref<8192xi32, #tpu.memory_space<hbm>>) dst(%dma_wait3A_130 : memref<8192xi32, #tpu.memory_space<vmem>>)
    %add3A_132 = arith.constant 24576 : i32
    %add3A_133 = arith.addi %mul3A_2, %add3A_132 : i32
    %dma_start3A_134 = arith.constant 1 : i32
    %dma_start3A_135 = arith.constant 0 : i32
    %dma_start3A_136 = tpu.memref_slice %arg6[%dma_start3A_134, %dma_start3A_135] : memref<2x8192xi32, #tpu.memory_space<vmem>> -> memref<1x8192xi32, #tpu.memory_space<vmem>>
    %dma_start3A_137 = tpu.memref_squeeze %dma_start3A_136 : memref<1x8192xi32, #tpu.memory_space<vmem>> -> memref<8192xi32, #tpu.memory_space<vmem>>
    %dma_start3A_138 = tpu.memref_slice %arg2[%add3A_133] : memref<1048576xi32, #tpu.memory_space<hbm>> -> memref<8192xi32, #tpu.memory_space<hbm>>
    %dma_start3A_139 = arith.constant 0 : i32
    %dma_start3A_140 = tpu.memref_slice %arg6[%dma_start3A_134, %dma_start3A_139] : memref<2x8192xi32, #tpu.memory_space<vmem>> -> memref<1x8192xi32, #tpu.memory_space<vmem>>
    %dma_start3A_141 = tpu.memref_squeeze %dma_start3A_140 : memref<1x8192xi32, #tpu.memory_space<vmem>> -> memref<8192xi32, #tpu.memory_space<vmem>>
    %dma_start3A_142 = tpu.memref_slice %arg2[%add3A_133] : memref<1048576xi32, #tpu.memory_space<hbm>> -> memref<8192xi32, #tpu.memory_space<hbm>>
    tpu.enqueue_dma source(%dma_start3A_142 : memref<8192xi32, #tpu.memory_space<hbm>>) target(%dma_start3A_141 : memref<8192xi32, #tpu.memory_space<vmem>>) target_semaphore(%arg10 : memref<!tpu.dma_semaphore, #tpu.memory_space<semaphore_mem>>)
    %dma_start3A_143 = arith.constant 1 : i32
    %dma_start3A_144 = arith.constant 0 : i32
    %dma_start3A_145 = tpu.memref_slice %arg7[%dma_start3A_143, %dma_start3A_144] : memref<2x8192xi32, #tpu.memory_space<vmem>> -> memref<1x8192xi32, #tpu.memory_space<vmem>>
    %dma_start3A_146 = tpu.memref_squeeze %dma_start3A_145 : memref<1x8192xi32, #tpu.memory_space<vmem>> -> memref<8192xi32, #tpu.memory_space<vmem>>
    %dma_start3A_147 = tpu.memref_slice %arg3[%add3A_133] : memref<1048576xi32, #tpu.memory_space<hbm>> -> memref<8192xi32, #tpu.memory_space<hbm>>
    %dma_start3A_148 = arith.constant 0 : i32
    %dma_start3A_149 = tpu.memref_slice %arg7[%dma_start3A_143, %dma_start3A_148] : memref<2x8192xi32, #tpu.memory_space<vmem>> -> memref<1x8192xi32, #tpu.memory_space<vmem>>
    %dma_start3A_150 = tpu.memref_squeeze %dma_start3A_149 : memref<1x8192xi32, #tpu.memory_space<vmem>> -> memref<8192xi32, #tpu.memory_space<vmem>>
    %dma_start3A_151 = tpu.memref_slice %arg3[%add3A_133] : memref<1048576xi32, #tpu.memory_space<hbm>> -> memref<8192xi32, #tpu.memory_space<hbm>>
    tpu.enqueue_dma source(%dma_start3A_151 : memref<8192xi32, #tpu.memory_space<hbm>>) target(%dma_start3A_150 : memref<8192xi32, #tpu.memory_space<vmem>>) target_semaphore(%arg10 : memref<!tpu.dma_semaphore, #tpu.memory_space<semaphore_mem>>)
    %parallel_loop3A_152 = arith.constant 0 : i32
    %parallel_loop3A_153 = arith.constant 8192 : i32
    %parallel_loop3A_154 = arith.constant 16 : i32
    scf.for %parallel_loop3A_268 = %parallel_loop3A_152 to %parallel_loop3A_153 step %parallel_loop3A_154  : i32 {
      %parallel_loop3A_269 = arith.constant 0 : i32
      %parallel_loop3A_270 = arith.index_cast %parallel_loop3A_269 : i32 to index
      %parallel_loop3A_271 = arith.index_cast %parallel_loop3A_268 : i32 to index
      %parallel_loop3A_272 = tpu.vector_load %arg6[%parallel_loop3A_270, %parallel_loop3A_271] {strides = array<i32>} : memref<2x8192xi32, #tpu.memory_space<vmem>>, vector<1x16xi32>,
      %parallel_loop3A_273 = vector.shape_cast %parallel_loop3A_272 : vector<1x16xi32> to vector<16xi32>
      %parallel_loop3A_274 = arith.constant 0 : i32
      %parallel_loop3A_275 = arith.index_cast %parallel_loop3A_274 : i32 to index
      %parallel_loop3A_276 = arith.index_cast %parallel_loop3A_268 : i32 to index
      %parallel_loop3A_277 = tpu.vector_load %arg7[%parallel_loop3A_275, %parallel_loop3A_276] {strides = array<i32>} : memref<2x8192xi32, #tpu.memory_space<vmem>>, vector<1x16xi32>,
      %parallel_loop3A_278 = vector.shape_cast %parallel_loop3A_277 : vector<1x16xi32> to vector<16xi32>
      %parallel_loop3A_279 = arith.constant 10000 : i32
      %parallel_loop3A_280 = vector.broadcast %parallel_loop3A_279 : i32 to vector<16xi32>
      %parallel_loop3A_281 = arith.muli %parallel_loop3A_273, %parallel_loop3A_280 : vector<16xi32>
      %parallel_loop3A_282 = arith.addi %parallel_loop3A_281, %parallel_loop3A_278 : vector<16xi32>
      %parallel_loop3A_283 = arith.constant 16384 : i32
      %parallel_loop3A_284 = arith.addi %parallel_loop3A_283, %parallel_loop3A_268 : i32
      %parallel_loop3A_285 = arith.index_cast %parallel_loop3A_284 : i32 to index
      %parallel_loop3A_286 = tpu.vector_load %arg8[%parallel_loop3A_285] {strides = array<i32>} : memref<32768xi32, #tpu.memory_space<vmem>>, vector<16xi32>,
      %parallel_loop3A_287 = vector.shape_cast %parallel_loop3A_286 : vector<16xi32> to vector<16xi32>
      %parallel_loop3A_288 = vector.shape_cast %parallel_loop3A_282 : vector<16xi32> to vector<16xi32>
      tpu.vector_store %arg8[%parallel_loop3A_285], %parallel_loop3A_288 {strides = array<i32>} : memref<32768xi32, #tpu.memory_space<vmem>>, vector<16xi32>,
    } {sc.loop_unroll_factor = 8 : i64, sc.parallel_access}
    %dma_start3A_155 = arith.constant 16384 : i32
    %dma_start3A_156 = tpu.memref_slice %arg9[%dma_start3A_155] : memref<32768xf32, #tpu.memory_space<vmem>> -> memref<8192xf32, #tpu.memory_space<vmem>>
    %dma_start3A_157 = arith.constant 16384 : i32
    %dma_start3A_158 = tpu.memref_slice %arg8[%dma_start3A_157] : memref<32768xi32, #tpu.memory_space<vmem>> -> memref<8192xi32, #tpu.memory_space<vmem>>
    %dma_start3A_159 = arith.constant 0 : i32
    %dma_start3A_160 = tpu.memref_slice %arg4[%dma_start3A_159] : memref<100000000xf32, #tpu.memory_space<hbm>> -> memref<100000000xf32, #tpu.memory_space<hbm>>
    tpu.enqueue_indirect_dma source(%dma_start3A_160 : memref<100000000xf32, #tpu.memory_space<hbm>>) target(%dma_start3A_156 : memref<8192xf32, #tpu.memory_space<vmem>>) offsets(%dma_start3A_158 : memref<8192xi32, #tpu.memory_space<vmem>>) semaphore(%arg11 : memref<!tpu.dma_semaphore, #tpu.memory_space<semaphore_mem>>)
    %dma_wait3A_161 = arith.constant 1 : i32
    %dma_wait3A_162 = arith.constant 0 : i32
    %dma_wait3A_163 = tpu.memref_slice %arg6[%dma_wait3A_161, %dma_wait3A_162] : memref<2x8192xi32, #tpu.memory_space<vmem>> -> memref<1x8192xi32, #tpu.memory_space<vmem>>
    %dma_wait3A_164 = tpu.memref_squeeze %dma_wait3A_163 : memref<1x8192xi32, #tpu.memory_space<vmem>> -> memref<8192xi32, #tpu.memory_space<vmem>>
    %dma_wait3A_165 = tpu.memref_slice %arg2[%add3A_133] : memref<1048576xi32, #tpu.memory_space<hbm>> -> memref<8192xi32, #tpu.memory_space<hbm>>
    %dma_wait3A_166 = arith.constant 0 : i32
    %dma_wait3A_167 = tpu.memref_slice %arg6[%dma_wait3A_161, %dma_wait3A_166] : memref<2x8192xi32, #tpu.memory_space<vmem>> -> memref<1x8192xi32, #tpu.memory_space<vmem>>
    %dma_wait3A_168 = tpu.memref_squeeze %dma_wait3A_167 : memref<1x8192xi32, #tpu.memory_space<vmem>> -> memref<8192xi32, #tpu.memory_space<vmem>>
    %dma_wait3A_169 = tpu.memref_slice %arg2[%add3A_133] : memref<1048576xi32, #tpu.memory_space<hbm>> -> memref<8192xi32, #tpu.memory_space<hbm>>
    tpu.wait_dma2 semaphore(%arg10 : memref<!tpu.dma_semaphore, #tpu.memory_space<semaphore_mem>>) src(%dma_wait3A_169 : memref<8192xi32, #tpu.memory_space<hbm>>) dst(%dma_wait3A_168 : memref<8192xi32, #tpu.memory_space<vmem>>)
    %dma_wait3A_170 = arith.constant 1 : i32
    %dma_wait3A_171 = arith.constant 0 : i32
    %dma_wait3A_172 = tpu.memref_slice %arg7[%dma_wait3A_170, %dma_wait3A_171] : memref<2x8192xi32, #tpu.memory_space<vmem>> -> memref<1x8192xi32, #tpu.memory_space<vmem>>
    %dma_wait3A_173 = tpu.memref_squeeze %dma_wait3A_172 : memref<1x8192xi32, #tpu.memory_space<vmem>> -> memref<8192xi32, #tpu.memory_space<vmem>>
    %dma_wait3A_174 = tpu.memref_slice %arg3[%add3A_133] : memref<1048576xi32, #tpu.memory_space<hbm>> -> memref<8192xi32, #tpu.memory_space<hbm>>
    %dma_wait3A_175 = arith.constant 0 : i32
    %dma_wait3A_176 = tpu.memref_slice %arg7[%dma_wait3A_170, %dma_wait3A_175] : memref<2x8192xi32, #tpu.memory_space<vmem>> -> memref<1x8192xi32, #tpu.memory_space<vmem>>
    %dma_wait3A_177 = tpu.memref_squeeze %dma_wait3A_176 : memref<1x8192xi32, #tpu.memory_space<vmem>> -> memref<8192xi32, #tpu.memory_space<vmem>>
    %dma_wait3A_178 = tpu.memref_slice %arg3[%add3A_133] : memref<1048576xi32, #tpu.memory_space<hbm>> -> memref<8192xi32, #tpu.memory_space<hbm>>
    tpu.wait_dma2 semaphore(%arg10 : memref<!tpu.dma_semaphore, #tpu.memory_space<semaphore_mem>>) src(%dma_wait3A_178 : memref<8192xi32, #tpu.memory_space<hbm>>) dst(%dma_wait3A_177 : memref<8192xi32, #tpu.memory_space<vmem>>)
    %parallel_loop3A_179 = arith.constant 0 : i32
    %parallel_loop3A_180 = arith.constant 8192 : i32
    %parallel_loop3A_181 = arith.constant 16 : i32
    scf.for %parallel_loop3A_268 = %parallel_loop3A_179 to %parallel_loop3A_180 step %parallel_loop3A_181  : i32 {
      %parallel_loop3A_269 = arith.constant 1 : i32
      %parallel_loop3A_270 = arith.index_cast %parallel_loop3A_269 : i32 to index
      %parallel_loop3A_271 = arith.index_cast %parallel_loop3A_268 : i32 to index
      %parallel_loop3A_272 = tpu.vector_load %arg6[%parallel_loop3A_270, %parallel_loop3A_271] {strides = array<i32>} : memref<2x8192xi32, #tpu.memory_space<vmem>>, vector<1x16xi32>,
      %parallel_loop3A_273 = vector.shape_cast %parallel_loop3A_272 : vector<1x16xi32> to vector<16xi32>
      %parallel_loop3A_274 = arith.constant 1 : i32
      %parallel_loop3A_275 = arith.index_cast %parallel_loop3A_274 : i32 to index
      %parallel_loop3A_276 = arith.index_cast %parallel_loop3A_268 : i32 to index
      %parallel_loop3A_277 = tpu.vector_load %arg7[%parallel_loop3A_275, %parallel_loop3A_276] {strides = array<i32>} : memref<2x8192xi32, #tpu.memory_space<vmem>>, vector<1x16xi32>,
      %parallel_loop3A_278 = vector.shape_cast %parallel_loop3A_277 : vector<1x16xi32> to vector<16xi32>
      %parallel_loop3A_279 = arith.constant 10000 : i32
      %parallel_loop3A_280 = vector.broadcast %parallel_loop3A_279 : i32 to vector<16xi32>
      %parallel_loop3A_281 = arith.muli %parallel_loop3A_273, %parallel_loop3A_280 : vector<16xi32>
      %parallel_loop3A_282 = arith.addi %parallel_loop3A_281, %parallel_loop3A_278 : vector<16xi32>
      %parallel_loop3A_283 = arith.constant 24576 : i32
      %parallel_loop3A_284 = arith.addi %parallel_loop3A_283, %parallel_loop3A_268 : i32
      %parallel_loop3A_285 = arith.index_cast %parallel_loop3A_284 : i32 to index
      %parallel_loop3A_286 = tpu.vector_load %arg8[%parallel_loop3A_285] {strides = array<i32>} : memref<32768xi32, #tpu.memory_space<vmem>>, vector<16xi32>,
      %parallel_loop3A_287 = vector.shape_cast %parallel_loop3A_286 : vector<16xi32> to vector<16xi32>
      %parallel_loop3A_288 = vector.shape_cast %parallel_loop3A_282 : vector<16xi32> to vector<16xi32>
      tpu.vector_store %arg8[%parallel_loop3A_285], %parallel_loop3A_288 {strides = array<i32>} : memref<32768xi32, #tpu.memory_space<vmem>>, vector<16xi32>,
    } {sc.loop_unroll_factor = 8 : i64, sc.parallel_access}
    %dma_start3A_182 = arith.constant 24576 : i32
    %dma_start3A_183 = tpu.memref_slice %arg9[%dma_start3A_182] : memref<32768xf32, #tpu.memory_space<vmem>> -> memref<8192xf32, #tpu.memory_space<vmem>>
    %dma_start3A_184 = arith.constant 24576 : i32
    %dma_start3A_185 = tpu.memref_slice %arg8[%dma_start3A_184] : memref<32768xi32, #tpu.memory_space<vmem>> -> memref<8192xi32, #tpu.memory_space<vmem>>
    %dma_start3A_186 = arith.constant 0 : i32
    %dma_start3A_187 = tpu.memref_slice %arg4[%dma_start3A_186] : memref<100000000xf32, #tpu.memory_space<hbm>> -> memref<100000000xf32, #tpu.memory_space<hbm>>
    tpu.enqueue_indirect_dma source(%dma_start3A_187 : memref<100000000xf32, #tpu.memory_space<hbm>>) target(%dma_start3A_183 : memref<8192xf32, #tpu.memory_space<vmem>>) offsets(%dma_start3A_185 : memref<8192xi32, #tpu.memory_space<vmem>>) semaphore(%arg11 : memref<!tpu.dma_semaphore, #tpu.memory_space<semaphore_mem>>)
    %dma_wait3A_188 = arith.constant 0 : i32
    %dma_wait3A_189 = tpu.memref_slice %arg9[%dma_wait3A_188] : memref<32768xf32, #tpu.memory_space<vmem>> -> memref<8192xf32, #tpu.memory_space<vmem>>
    %dma_wait3A_190 = arith.constant 0 : i32
    %dma_wait3A_191 = tpu.memref_slice %arg8[%dma_wait3A_190] : memref<32768xi32, #tpu.memory_space<vmem>> -> memref<8192xi32, #tpu.memory_space<vmem>>
    %dma_wait3A_192 = arith.constant 0 : i32
    %dma_wait3A_193 = tpu.memref_slice %arg4[%dma_wait3A_192] : memref<100000000xf32, #tpu.memory_space<hbm>> -> memref<100000000xf32, #tpu.memory_space<hbm>>
    tpu.wait_indirect_dma semaphore(%arg11 : memref<!tpu.dma_semaphore, #tpu.memory_space<semaphore_mem>>) src(%dma_wait3A_193 : memref<100000000xf32, #tpu.memory_space<hbm>>) dst(%dma_wait3A_189 : memref<8192xf32, #tpu.memory_space<vmem>>)
    %add3A_194 = arith.constant 0 : i32
    %add3A_195 = arith.addi %mul3A_2, %add3A_194 : i32
    %dma_start3A_196 = arith.constant 0 : i32
    %dma_start3A_197 = tpu.memref_slice %arg9[%dma_start3A_196] : memref<32768xf32, #tpu.memory_space<vmem>> -> memref<8192xf32, #tpu.memory_space<vmem>>
    %dma_start3A_198 = tpu.memref_slice %arg5[%add3A_195] : memref<1048576xf32, #tpu.memory_space<hbm>> -> memref<8192xf32, #tpu.memory_space<hbm>>
    %dma_start3A_199 = tpu.memref_slice %arg5[%add3A_195] : memref<1048576xf32, #tpu.memory_space<hbm>> -> memref<8192xf32, #tpu.memory_space<hbm>>
    %dma_start3A_200 = arith.constant 0 : i32
    %dma_start3A_201 = tpu.memref_slice %arg9[%dma_start3A_200] : memref<32768xf32, #tpu.memory_space<vmem>> -> memref<8192xf32, #tpu.memory_space<vmem>>
    tpu.enqueue_dma source(%dma_start3A_201 : memref<8192xf32, #tpu.memory_space<vmem>>) target(%dma_start3A_199 : memref<8192xf32, #tpu.memory_space<hbm>>) target_semaphore(%arg12 : memref<!tpu.dma_semaphore, #tpu.memory_space<semaphore_mem>>)
    %dma_wait3A_202 = arith.constant 8192 : i32
    %dma_wait3A_203 = tpu.memref_slice %arg9[%dma_wait3A_202] : memref<32768xf32, #tpu.memory_space<vmem>> -> memref<8192xf32, #tpu.memory_space<vmem>>
    %dma_wait3A_204 = arith.constant 8192 : i32
    %dma_wait3A_205 = tpu.memref_slice %arg8[%dma_wait3A_204] : memref<32768xi32, #tpu.memory_space<vmem>> -> memref<8192xi32, #tpu.memory_space<vmem>>
    %dma_wait3A_206 = arith.constant 0 : i32
    %dma_wait3A_207 = tpu.memref_slice %arg4[%dma_wait3A_206] : memref<100000000xf32, #tpu.memory_space<hbm>> -> memref<100000000xf32, #tpu.memory_space<hbm>>
    tpu.wait_indirect_dma semaphore(%arg11 : memref<!tpu.dma_semaphore, #tpu.memory_space<semaphore_mem>>) src(%dma_wait3A_207 : memref<100000000xf32, #tpu.memory_space<hbm>>) dst(%dma_wait3A_203 : memref<8192xf32, #tpu.memory_space<vmem>>)
    %add3A_208 = arith.constant 8192 : i32
    %add3A_209 = arith.addi %mul3A_2, %add3A_208 : i32
    %dma_start3A_210 = arith.constant 8192 : i32
    %dma_start3A_211 = tpu.memref_slice %arg9[%dma_start3A_210] : memref<32768xf32, #tpu.memory_space<vmem>> -> memref<8192xf32, #tpu.memory_space<vmem>>
    %dma_start3A_212 = tpu.memref_slice %arg5[%add3A_209] : memref<1048576xf32, #tpu.memory_space<hbm>> -> memref<8192xf32, #tpu.memory_space<hbm>>
    %dma_start3A_213 = tpu.memref_slice %arg5[%add3A_209] : memref<1048576xf32, #tpu.memory_space<hbm>> -> memref<8192xf32, #tpu.memory_space<hbm>>
    %dma_start3A_214 = arith.constant 8192 : i32
    %dma_start3A_215 = tpu.memref_slice %arg9[%dma_start3A_214] : memref<32768xf32, #tpu.memory_space<vmem>> -> memref<8192xf32, #tpu.memory_space<vmem>>
    tpu.enqueue_dma source(%dma_start3A_215 : memref<8192xf32, #tpu.memory_space<vmem>>) target(%dma_start3A_213 : memref<8192xf32, #tpu.memory_space<hbm>>) target_semaphore(%arg12 : memref<!tpu.dma_semaphore, #tpu.memory_space<semaphore_mem>>)
    %dma_wait3A_216 = arith.constant 16384 : i32
    %dma_wait3A_217 = tpu.memref_slice %arg9[%dma_wait3A_216] : memref<32768xf32, #tpu.memory_space<vmem>> -> memref<8192xf32, #tpu.memory_space<vmem>>
    %dma_wait3A_218 = arith.constant 16384 : i32
    %dma_wait3A_219 = tpu.memref_slice %arg8[%dma_wait3A_218] : memref<32768xi32, #tpu.memory_space<vmem>> -> memref<8192xi32, #tpu.memory_space<vmem>>
    %dma_wait3A_220 = arith.constant 0 : i32
    %dma_wait3A_221 = tpu.memref_slice %arg4[%dma_wait3A_220] : memref<100000000xf32, #tpu.memory_space<hbm>> -> memref<100000000xf32, #tpu.memory_space<hbm>>
    tpu.wait_indirect_dma semaphore(%arg11 : memref<!tpu.dma_semaphore, #tpu.memory_space<semaphore_mem>>) src(%dma_wait3A_221 : memref<100000000xf32, #tpu.memory_space<hbm>>) dst(%dma_wait3A_217 : memref<8192xf32, #tpu.memory_space<vmem>>)
    %add3A_222 = arith.constant 16384 : i32
    %add3A_223 = arith.addi %mul3A_2, %add3A_222 : i32
    %dma_start3A_224 = arith.constant 16384 : i32
    %dma_start3A_225 = tpu.memref_slice %arg9[%dma_start3A_224] : memref<32768xf32, #tpu.memory_space<vmem>> -> memref<8192xf32, #tpu.memory_space<vmem>>
    %dma_start3A_226 = tpu.memref_slice %arg5[%add3A_223] : memref<1048576xf32, #tpu.memory_space<hbm>> -> memref<8192xf32, #tpu.memory_space<hbm>>
    %dma_start3A_227 = tpu.memref_slice %arg5[%add3A_223] : memref<1048576xf32, #tpu.memory_space<hbm>> -> memref<8192xf32, #tpu.memory_space<hbm>>
    %dma_start3A_228 = arith.constant 16384 : i32
    %dma_start3A_229 = tpu.memref_slice %arg9[%dma_start3A_228] : memref<32768xf32, #tpu.memory_space<vmem>> -> memref<8192xf32, #tpu.memory_space<vmem>>
    tpu.enqueue_dma source(%dma_start3A_229 : memref<8192xf32, #tpu.memory_space<vmem>>) target(%dma_start3A_227 : memref<8192xf32, #tpu.memory_space<hbm>>) target_semaphore(%arg12 : memref<!tpu.dma_semaphore, #tpu.memory_space<semaphore_mem>>)
    %dma_wait3A_230 = arith.constant 24576 : i32
    %dma_wait3A_231 = tpu.memref_slice %arg9[%dma_wait3A_230] : memref<32768xf32, #tpu.memory_space<vmem>> -> memref<8192xf32, #tpu.memory_space<vmem>>
    %dma_wait3A_232 = arith.constant 24576 : i32
    %dma_wait3A_233 = tpu.memref_slice %arg8[%dma_wait3A_232] : memref<32768xi32, #tpu.memory_space<vmem>> -> memref<8192xi32, #tpu.memory_space<vmem>>
    %dma_wait3A_234 = arith.constant 0 : i32
    %dma_wait3A_235 = tpu.memref_slice %arg4[%dma_wait3A_234] : memref<100000000xf32, #tpu.memory_space<hbm>> -> memref<100000000xf32, #tpu.memory_space<hbm>>
    tpu.wait_indirect_dma semaphore(%arg11 : memref<!tpu.dma_semaphore, #tpu.memory_space<semaphore_mem>>) src(%dma_wait3A_235 : memref<100000000xf32, #tpu.memory_space<hbm>>) dst(%dma_wait3A_231 : memref<8192xf32, #tpu.memory_space<vmem>>)
    %add3A_236 = arith.constant 24576 : i32
    %add3A_237 = arith.addi %mul3A_2, %add3A_236 : i32
    %dma_start3A_238 = arith.constant 24576 : i32
    %dma_start3A_239 = tpu.memref_slice %arg9[%dma_start3A_238] : memref<32768xf32, #tpu.memory_space<vmem>> -> memref<8192xf32, #tpu.memory_space<vmem>>
    %dma_start3A_240 = tpu.memref_slice %arg5[%add3A_237] : memref<1048576xf32, #tpu.memory_space<hbm>> -> memref<8192xf32, #tpu.memory_space<hbm>>
    %dma_start3A_241 = tpu.memref_slice %arg5[%add3A_237] : memref<1048576xf32, #tpu.memory_space<hbm>> -> memref<8192xf32, #tpu.memory_space<hbm>>
    %dma_start3A_242 = arith.constant 24576 : i32
    %dma_start3A_243 = tpu.memref_slice %arg9[%dma_start3A_242] : memref<32768xf32, #tpu.memory_space<vmem>> -> memref<8192xf32, #tpu.memory_space<vmem>>
    tpu.enqueue_dma source(%dma_start3A_243 : memref<8192xf32, #tpu.memory_space<vmem>>) target(%dma_start3A_241 : memref<8192xf32, #tpu.memory_space<hbm>>) target_semaphore(%arg12 : memref<!tpu.dma_semaphore, #tpu.memory_space<semaphore_mem>>)
    %dma_wait3A_244 = arith.constant 0 : i32
    %dma_wait3A_245 = tpu.memref_slice %arg9[%dma_wait3A_244] : memref<32768xf32, #tpu.memory_space<vmem>> -> memref<8192xf32, #tpu.memory_space<vmem>>
    %dma_wait3A_246 = tpu.memref_slice %arg5[%add3A_195] : memref<1048576xf32, #tpu.memory_space<hbm>> -> memref<8192xf32, #tpu.memory_space<hbm>>
    %dma_wait3A_247 = tpu.memref_slice %arg5[%add3A_195] : memref<1048576xf32, #tpu.memory_space<hbm>> -> memref<8192xf32, #tpu.memory_space<hbm>>
    %dma_wait3A_248 = arith.constant 0 : i32
    %dma_wait3A_249 = tpu.memref_slice %arg9[%dma_wait3A_248] : memref<32768xf32, #tpu.memory_space<vmem>> -> memref<8192xf32, #tpu.memory_space<vmem>>
    tpu.wait_dma2 semaphore(%arg12 : memref<!tpu.dma_semaphore, #tpu.memory_space<semaphore_mem>>) src(%dma_wait3A_249 : memref<8192xf32, #tpu.memory_space<vmem>>) dst(%dma_wait3A_247 : memref<8192xf32, #tpu.memory_space<hbm>>)
    %dma_wait3A_250 = arith.constant 8192 : i32
    %dma_wait3A_251 = tpu.memref_slice %arg9[%dma_wait3A_250] : memref<32768xf32, #tpu.memory_space<vmem>> -> memref<8192xf32, #tpu.memory_space<vmem>>
    %dma_wait3A_252 = tpu.memref_slice %arg5[%add3A_209] : memref<1048576xf32, #tpu.memory_space<hbm>> -> memref<8192xf32, #tpu.memory_space<hbm>>
    %dma_wait3A_253 = tpu.memref_slice %arg5[%add3A_209] : memref<1048576xf32, #tpu.memory_space<hbm>> -> memref<8192xf32, #tpu.memory_space<hbm>>
    %dma_wait3A_254 = arith.constant 8192 : i32
    %dma_wait3A_255 = tpu.memref_slice %arg9[%dma_wait3A_254] : memref<32768xf32, #tpu.memory_space<vmem>> -> memref<8192xf32, #tpu.memory_space<vmem>>
    tpu.wait_dma2 semaphore(%arg12 : memref<!tpu.dma_semaphore, #tpu.memory_space<semaphore_mem>>) src(%dma_wait3A_255 : memref<8192xf32, #tpu.memory_space<vmem>>) dst(%dma_wait3A_253 : memref<8192xf32, #tpu.memory_space<hbm>>)
    %dma_wait3A_256 = arith.constant 16384 : i32
    %dma_wait3A_257 = tpu.memref_slice %arg9[%dma_wait3A_256] : memref<32768xf32, #tpu.memory_space<vmem>> -> memref<8192xf32, #tpu.memory_space<vmem>>
    %dma_wait3A_258 = tpu.memref_slice %arg5[%add3A_223] : memref<1048576xf32, #tpu.memory_space<hbm>> -> memref<8192xf32, #tpu.memory_space<hbm>>
    %dma_wait3A_259 = tpu.memref_slice %arg5[%add3A_223] : memref<1048576xf32, #tpu.memory_space<hbm>> -> memref<8192xf32, #tpu.memory_space<hbm>>
    %dma_wait3A_260 = arith.constant 16384 : i32
    %dma_wait3A_261 = tpu.memref_slice %arg9[%dma_wait3A_260] : memref<32768xf32, #tpu.memory_space<vmem>> -> memref<8192xf32, #tpu.memory_space<vmem>>
    tpu.wait_dma2 semaphore(%arg12 : memref<!tpu.dma_semaphore, #tpu.memory_space<semaphore_mem>>) src(%dma_wait3A_261 : memref<8192xf32, #tpu.memory_space<vmem>>) dst(%dma_wait3A_259 : memref<8192xf32, #tpu.memory_space<hbm>>)
    %dma_wait3A_262 = arith.constant 24576 : i32
    %dma_wait3A_263 = tpu.memref_slice %arg9[%dma_wait3A_262] : memref<32768xf32, #tpu.memory_space<vmem>> -> memref<8192xf32, #tpu.memory_space<vmem>>
    %dma_wait3A_264 = tpu.memref_slice %arg5[%add3A_237] : memref<1048576xf32, #tpu.memory_space<hbm>> -> memref<8192xf32, #tpu.memory_space<hbm>>
    %dma_wait3A_265 = tpu.memref_slice %arg5[%add3A_237] : memref<1048576xf32, #tpu.memory_space<hbm>> -> memref<8192xf32, #tpu.memory_space<hbm>>
    %dma_wait3A_266 = arith.constant 24576 : i32
    %dma_wait3A_267 = tpu.memref_slice %arg9[%dma_wait3A_266] : memref<32768xf32, #tpu.memory_space<vmem>> -> memref<8192xf32, #tpu.memory_space<vmem>>
    tpu.wait_dma2 semaphore(%arg12 : memref<!tpu.dma_semaphore, #tpu.memory_space<semaphore_mem>>) src(%dma_wait3A_267 : memref<8192xf32, #tpu.memory_space<vmem>>) dst(%dma_wait3A_265 : memref<8192xf32, #tpu.memory_space<hbm>>)
    return
  }
}

</mosaic_0001>

<sc_bundles>
// kernel: kernel.3.cloned.1.call-start
scs
__scs_entry_jumppad:
0x0: {  	(pc) =	sbr.rel $0x88, $3  }
0x1: {  	(tag) =	ssettag $0x0;
	lr =	simm.s32 $0x1  }
0x2: {  	[smem:$0x3F9E] =	sst lr;
	_ =	strace $0xD0000000  }
0x3: {  	_ = 	snop  }
0x4: {  	_ = 	snop  }
0x5: {  	_ = 	snop  }
0x6: {  	_ = 	snop  }
0x7: {  	_ = 	snop  }
__scs_overlays_trampoline_lowered:
0x8: {  	[smem:$0x3FAD] =	sst s0  }
0x9: {  	[smem:$0x3FAE] =	sst s1  }
0xa: {  	[smem:$0x3FAF] =	sst s2  }
0xb: {  	[smem:$0x3FB0] =	sst s3  }
0xc: {  	[smem:$0x3FB1] =	sst s4  }
0xd: {  	[smem:$0x3FB2] =	sst s5  }
0xe: {  	[smem:$0x3FB3] =	sst s6  }
0xf: {  	[smem:$0x3FB4] =	sst s7  }
0x10: {  	[smem:$0x3FB5] =	sst s8  }
0x11: {  	[smem:$0x3FB6] =	sst s9;
	s0 =	simm.s32 @!p0 $0x0  }
0x12: {  	s1 =	sld [smem:$0x3F9C];
	s0 =	simm.s32 @p0 $0x1  }
0x13: {  	[smem:$0x3FB7] =	sst s0;
	s0 =	simm.s32 @!p1 $0x0  }
0x14: {  	s2 =	sld [smem:$0x3F9B];
	s0 =	simm.s32 @p1 $0x1  }
0x15: {  	[smem:$0x3FB8] =	sst s0;
	s0 =	simm.s32 @!p2 $0x0  }
0x16: {  	s3 =	sld [smem:$0x3FDB];
	s0 =	simm.s32 @p2 $0x1  }
0x17: {  	s4 =	simm.s32 $0x1BF5;
	[smem:$0x3FBA] =	sst s0  }
0x18: {  	s0 =	sld [smem:$0x3F9D];
	_ =	swait.ge [sflag:s4], $0x0  }
0x19: {  	s7 =	sld [smem:$0x3F9E]  }
0x1a: {  	s8 =	sadd.s32 $0xFFFFE003, lr  }
0x1b: {  	s9 =	sadd.s32 $0xFFFFFEF7, lr;
	s5 =	simm.s32 $0xFFFFFFFF;
	p2 =	slt.u32 s8, $0xFFFFF086  }
0x1c: {  	p1 =	slt.u32 s9, $0xF7A;
	s5 =	simm.s32 @!p2 $0x0  }
0x1d: {  	s5 =	simm.s32 @p1 $0x1;
	p0 =	seq.s32 s7, s2  }
0x1e: {  	s7 =	smul.u32 @!p0 $0xF7A, s2;
	p2 =	seq.s32 @!p0 s5, $0x0  }
0x1f: {  	s9 =	smul.u32 $0xF7A, s1;
	s8 =	simm.s32 @!p0 $0x1BF5;
	p2 =	por !p2, p0  }
0x20: {  	[sflag:s8] =	ssyncset.s32 @!p0 $0xFFFFF086;
	s6 =	sadd.s32 @!p0 s3, s7;
	s7 =	simm.s32 @!p0 $0x108  }
0x21: {  	s3 =	sadd.s32 s3, s9;
	s6 =	sadd.s32 @!p0 $0x88, s6;
	s7 =	simm.s32 @p2 $0x1082  }
0x22: {  	[simem:s7], [sflag:s8] =	dma.local @!p0 [hbm:s6], $0xF7A  }
0x23: {  	s9 =	sor.u32 $0xD0000000, s2;
	s6 =	simm.s32 $0x108;
	_ =	swait.ge @!p0 [sflag:s8], $0x0  }
0x24: {  	s3 =	sadd.s32 $0x88, s3;
	s6 =	simm.s32 @!p1 $0x1082;
	[sflag:s4] =	ssyncset.s32 $0xFFFFF086  }
0x25: {  	[simem:s6], [sflag:s4] =	dma.local [hbm:s3], $0xF7A  }
0x26: {  	[smem:$0x3F9E] =	sst s1;
	(tag) =	ssettag s2;
	_ =	strace s9  }
0x27: {  	s1 =	sld [smem:$0x3FAE]  }
0x28: {  	s2 =	sld [smem:$0x3FAF]  }
0x29: {  	s4 =	sld [smem:$0x3FB1]  }
0x2a: {  	p0 =	seq.s32 s5, $0x0;
	s5 =	sld [smem:$0x3FB2]  }
0x2b: {  	s6 =	sld [smem:$0x3FB3]  }
0x2c: {  	s7 =	sld [smem:$0x3FB4]  }
0x2d: {  	s3 =	simm.s32 $0x108;
	s8 =	sld [smem:$0x3FB5]  }
0x2e: {  	s3 =	simm.s32 @!p0 $0x1082;
	s9 =	sld [smem:$0x3FB6]  }
0x2f: {  	lr =	sadd.s32 s0, s3;
	s0 =	sld [smem:$0x3FAD]  }
0x30: {  	s3 =	sld [smem:$0x3FB0]  }
0x31: {  	[smem:$0x3FB9] =	sst s10  }
0x32: {  	s10 =	sld [smem:$0x3FB7];
	_ =	sdelay $0x3  }
0x33: {  	p0 =	seq.s32 s10, $0x1;
	s10 =	sld [smem:$0x3FB9];
	_ =	sdelay $0x3  }
0x34: {  	[smem:$0x3FB9] =	sst s10  }
0x35: {  	s10 =	sld [smem:$0x3FB8];
	_ =	sdelay $0x3  }
0x36: {  	p1 =	seq.s32 s10, $0x1;
	s10 =	sld [smem:$0x3FB9];
	_ =	sdelay $0x3  }
0x37: {  	[smem:$0x3FB9] =	sst s10  }
0x38: {  	s10 =	sld [smem:$0x3FBA]  }
0x39: {  	_ = 	snop;
	(pc) =	sbr.ind lr, $3  }
0x3a: {  	_ = 	snop  }
0x3b: {  	_ = 	snop  }
0x3c: {  	p2 =	seq.s32 s10, $0x1;
	s10 =	sld [smem:$0x3FB9]  }
0x3d: {  	_ =	shalt  }
0x3e: {  	_ =	shalt  }
0x3f: {  	_ =	shalt  }
0x40: {  	_ =	shalt  }
0x41: {  	_ =	shalt  }
0x42: {  	_ =	shalt  }
0x43: {  	_ =	shalt  }
0x44: {  	_ =	shalt  }
0x45: {  	_ =	shalt  }
0x46: {  	_ =	shalt  }
0x47: {  	_ =	shalt  }
0x48: {  	_ =	shalt  }
0x49: {  	_ =	shalt  }
0x4a: {  	_ =	shalt  }
0x4b: {  	_ =	shalt  }
0x4c: {  	_ =	shalt  }
0x4d: {  	_ =	shalt  }
0x4e: {  	_ =	shalt  }
0x4f: {  	_ =	shalt  }
0x50: {  	_ =	shalt  }
0x51: {  	_ =	shalt  }
0x52: {  	_ =	shalt  }
0x53: {  	_ =	shalt  }
0x54: {  	_ =	shalt  }
0x55: {  	_ =	shalt  }
0x56: {  	_ =	shalt  }
0x57: {  	_ =	shalt  }
0x58: {  	_ =	shalt  }
0x59: {  	_ =	shalt  }
0x5a: {  	_ =	shalt  }
0x5b: {  	_ =	shalt  }
0x5c: {  	_ =	shalt  }
0x5d: {  	_ =	shalt  }
0x5e: {  	_ =	shalt  }
0x5f: {  	_ =	shalt  }
0x60: {  	_ =	shalt  }
0x61: {  	_ =	shalt  }
0x62: {  	_ =	shalt  }
0x63: {  	_ =	shalt  }
0x64: {  	_ =	shalt  }
0x65: {  	_ =	shalt  }
0x66: {  	_ =	shalt  }
0x67: {  	_ =	shalt  }
0x68: {  	_ =	shalt  }
0x69: {  	_ =	shalt  }
0x6a: {  	_ =	shalt  }
0x6b: {  	_ =	shalt  }
0x6c: {  	_ =	shalt  }
0x6d: {  	_ =	shalt  }
0x6e: {  	_ =	shalt  }
0x6f: {  	_ =	shalt  }
0x70: {  	_ =	shalt  }
0x71: {  	_ =	shalt  }
0x72: {  	_ =	shalt  }
0x73: {  	_ =	shalt  }
0x74: {  	_ =	shalt  }
0x75: {  	_ =	shalt  }
0x76: {  	_ =	shalt  }
0x77: {  	_ =	shalt  }
0x78: {  	_ =	shalt  }
0x79: {  	_ =	shalt  }
0x7a: {  	_ =	shalt  }
0x7b: {  	_ =	shalt  }
0x7c: {  	_ =	shalt  }
0x7d: {  	_ =	shalt  }
0x7e: {  	_ =	shalt  }
0x7f: {  	_ =	shalt  }
0x80: {  	_ =	shalt  }
0x81: {  	_ =	shalt  }
0x82: {  	_ =	shalt  }
0x83: {  	_ =	shalt  }
0x84: {  	_ =	shalt  }
0x85: {  	_ =	shalt  }
0x86: {  	_ =	shalt  }
0x87: {  	_ =	shalt  }
.Lfunc_end0:
.L_simem_size_0:
called_computation_lowered:
.L_overlay_start_0:
0x88: {  	s2 =	sld [smem:$0x3FD9]  }
0x89: {  	s3 =	sld [smem:$0x3FFE];
	_ =	sdelay $0x1  }
0x8a: {  	s1 =	srdreg.scid  }
0x8b: {  	s0 =	sand.u32 $0x1, s1  }
0x8c: {  	s16 =	sshll.u32 s0, $0xA;
	s2 =	sadd.s32 s3, s2  }
0x8d: {  	s2 =	sadd.s32 s2, s16  }
0x8e: {  	[smem:$0x3FC5] =	sst s2  }
0x8f: {  	_ = 	snop  }
0x90: {  	(tm) =	ssettm $0x1  }
0x91: {  	s17 =	sld [smem:$0x3FFB];
	_ =	sdelay $0x3  }
0x92: {  	_ =	strace s17  }
0x93: {  	s2 =	sld [smem:$0x3FFC];
	_ =	sdelay $0x3  }
0x94: {  	_ =	strace s2  }
0x95: {  	s2 =	sld [smem:$0x3FFD];
	_ =	sdelay $0x3  }
0x96: {  	_ =	strace s2  }
0x97: {  	_ =	strace $0x8FFFFFFF  }
0x98: {  	s18 =	sld [smem:$0x3FDB];
	_ =	sdelay $0x1  }
0x99: {  	s19 =	simm.s32 $_scs_section_size  }
0x9a: {  	s4 =	simm.s32 $_size__tile_overlayer_lowered;
	s5 =	simm.s32 $_tile_overlayer_lowered  }
0x9b: {  	s22 =	simm.s32 $0x1BFF;
	s21 =	sshll.u32 s5, $0x1;
	s2 =	sadd.s32 s19, s18  }
0x9c: {  	s6 =	simm.s32 $0x0;
	s20 =	sshll.u32 s4, $0x1;
	s4 =	sadd.s32 s21, s2  }
0x9d: {  	[timem:s6], [sflag:s22] =	dma.local [hbm:s4], s20  }
0x9e: {  	_ =	swait.ge [sflag:s22], s20  }
0x9f: {  	s3 =	ssub.s32 $0x0, s20;
	[sflag:s22] =	ssyncset.done $0x0  }
0xa0: {  	[sflag:s22] =	ssyncadd.s32 s3;
	_ =	sdelay $0x1  }
0xa1: {  	s23 =	simm.s32 $0x1B8B  }
0xa2: {  	_ =	swait.ge [sflag:s23], $0x1  }
0xa3: {  	[sflag:s23] =	ssyncset.done $0x0  }
0xa4: {  	s25 =	simm.s32 $0x1B8E;
	s24 =	sld [smem:$0x3FFE];
	[sflag:s23] =	ssyncadd.s32 $0xFFFFFFFF  }
0xa5: {  	s26 =	simm.s32 $execute0_lowered;
	[smem:$0x3FD2] =	sst s25  }
0xa6: {  	s4 =	sshll.u32 s26, $0x1;
	_ =	strace $0x80000046;
	[dreg:$0x1] =	wrdreg $0xFFFFFFFF  }
0xa7: {  	s28 =	simm.s32 $_size_execute0_lowered;
	s2 =	sadd.s32 s2, s4;
	[dreg:$0x0] =	wrdreg $0x0  }
0xa8: {  	s4 =	sshll.u32 s28, $0x1;
	[dreg:$0x2] =	wrdreg s2  }
0xa9: {  	[dreg:$0x3] =	wrdreg s4  }
0xaa: {  	[dreg:$0x4] =	wrdreg $0xC0  }
0xab: {  	_ =	task [dreg:s6], $0x5FFFF  }
0xac: {  	[dreg:$0x1] =	wrdreg $0xFFFFFFFF  }
0xad: {  	[dreg:$0x0] =	wrdreg $0x60  }
0xae: {  	[dreg:$0x2] =	wrdreg s24  }
0xaf: {  	[dreg:$0x3] =	wrdreg $0x9  }
0xb0: {  	_ =	task.clear_ibuf [dreg:s6], $0x4FFFF;
	_ =	strace $0x90000046  }
0xb1: {  	s29 =	simm.s32 $0x9;
	_ =	strace $0x80000048  }
0xb2: {  	_ =	swait.ge [sflag:s29], $0x1  }
0xb3: {  	[sflag:s29] =	ssyncadd.s32 $0xFFFFFFFF  }
0xb4: {  	_ =	strace $0x90000048  }
0xb5: {  	_ =	sfence  }
0xb6: {  	s30 =	sld [smem:$0x0];
	_ =	sdelay $0x2  }
0xb7: {  	s31 =	sshll.u32 s1, $0xD;
	s1 =	sshrl.u32 s1, $0x2  }
0xb8: {  	s3 =	sand.u32 $0x4000, s31;
	s1 =	sadd.s32 s1, s30  }
0xb9: {  	s0 =	sor.u32 s3, s0;
	s1 =	sshll.u32 s1, $0x11  }
0xba: {  	s0 =	sor.u32 s1, s0  }
0xbb: {  	s0 =	sadd.s32 $0x8F2B, s0  }
0xbc: {  	[sflag:s0] =	ssyncadd.remote.s32 $0x1  }
0xbd: {  	_ =	sfence.sel $0xFFFF  }
0xbe: {  	[dreg:$0x0] =	wrdreg $0xFFFFFFFF;
	(pc) =	sbr.abs _section_cstart, $3  }
0xbf: {  	[dreg:$0x1] =	wrdreg $0xFFFFFFFF  }
0xc0: {  	_ =	task.clear_ibuf [dreg:s6], $0x2FFFF;
	_ =	strace $0x9FFFFFFF  }
0xc1: {  	(tm) =	ssettm $0x7FFFFFFF  }
tec
execute0_lowered:
.L_overlay_start_1:
0x0: {  	(tag) =	ssettag $0x1  }
0x1: {  	s0 =	rddreg [dreg:$0x0];
	s1 =	simm.s32 $0x0;
	s4 =	srdreg.scid  }
0x2: {  	s6 =	stileid.u32;
	s17 =	simm.s32 $0x1;
	s18 =	simm.s32 $0x2000  }
0x3: {  	s20 =	simm.s32 $0x10000;
	s21 =	simm.s32 $0xA000;
	s22 =	simm.s32 $0x12000  }
0x4: {  	s23 =	simm.s32 $0xC000;
	s24 =	simm.s32 $0x14000;
	s25 =	simm.s32 $0xE000  }
0x5: {  	s26 =	simm.s32 $0x16000;
	s28 =	simm.s32 $0x2;
	s29 =	simm.s32 $0x3  }
0x6: {  	s30 =	simm.s32 $0x0;
	[smem:$0x7FF] =	sst s1;
	s2 =	sadd.s32 $0xBED000, s0  }
0x7: {  	s11 =	sadd.s32 $0xC0D000, s0;
	s3 =	sadd.s32 $0x1200, s0;
	s4 =	sand.u32 $0x1, s4  }
0x8: {  	s6 =	sshll.u32 s6, $0xD;
	s5 =	ssub.s32 $0x2, s4;
	s4 =	sshll.u32 s4, $0xC  }
0x9: {  	s0 =	sadd.s32 $0xC2D000, s0;
	s7 =	sshrl.u32 s5, $0x1;
	s12 =	sor.u32 s4, s6  }
0xa: {  	_ =	strace $0x80000047;
	s16 =	ssub.s32 s5, s7;
	s4 =	sadd.s32 s2, s12  }
0xb: {  	s13 =	sor.u32 $0x400, s12;
	s5 =	sadd.s32 s11, s12;
	s14 =	sor.u32 $0x800, s12  }
0xc: {  	s15 =	sor.u32 $0xC00, s12;
	s12 =	sadd.s32 s0, s12;
	s6 =	sadd.s32 s2, s13  }
0xd: {  	s7 =	sadd.s32 s11, s13;
	s8 =	sadd.s32 s2, s14;
	s9 =	sadd.s32 s11, s14  }
0xe: {  	s10 =	sadd.s32 s2, s15;
	s11 =	sadd.s32 s11, s15;
	s13 =	sadd.s32 s0, s13  }
0xf: {  	s14 =	sadd.s32 s0, s14;
	s15 =	sadd.s32 s0, s15;
	s16 =	smax.u32 s16, $0x1  }
.LBB2_1:
0x10: {  	s0 =	simm.s32 $0x10  }
0x11: {  	s31 =	sadd.s32 $0x0, s4;
	s2 =	simm.s32 $0x100;
	s19 =	simm.s32 $0x0  }
.LBB2_2:
0x12: {  	[tilespmem:s19], [sflag:$0x1] =	stream.linear.gather [hbm4b:s31+s1], $0x80, $0x38;
	[tilespmem:$0x18000] =	vst v63  }
0x13: {  	s31 =	smov.u32 s0;
	s19 =	smov.u32 s2;
	p0 =	sne.s32 s0, $0x3F0  }
.Ltmp0:
0x14: {  	s0 =	sadd.s32 $0x10, s0;
	(pc) =	sbr.rel @p0 .LBB2_2-.Ltmp0, $2  }
0x15: {  	_ =	sdelay $0x2  }
0x16: {  	s2 =	sadd.s32 $0x100, s2;
	s31 =	sadd.s32 s31, s4  }
0x17: {  	[tilespmem:s19], [sflag:$0x1] =	stream.linear.gather [hbm4b:s31+s1], $0x80, $0x38;
	[tilespmem:$0x18000] =	vst v63  }
0x18: {  	s0 =	simm.s32 $0x4000  }
0x19: {  	s2 =	simm.s32 $0x10;
	s31 =	sadd.s32 $0x0, s5;
	s19 =	simm.s32 $0x4100  }
.LBB2_4:
0x1a: {  	[tilespmem:s0], [sflag:$0x1] =	stream.linear.gather [hbm4b:s31+s1], $0x80, $0x38;
	[tilespmem:$0x18000] =	vst v63  }
0x1b: {  	s31 =	smov.u32 s2;
	s0 =	smov.u32 s19;
	p0 =	sne.s32 s2, $0x3F0  }
.Ltmp1:
0x1c: {  	s2 =	sadd.s32 $0x10, s2;
	(pc) =	sbr.rel @p0 .LBB2_4-.Ltmp1, $2  }
0x1d: {  	_ =	sdelay $0x2  }
0x1e: {  	s19 =	sadd.s32 $0x100, s19;
	s31 =	sadd.s32 s31, s5  }
0x1f: {  	[tilespmem:s0], [sflag:$0x1] =	stream.linear.gather [hbm4b:s31+s1], $0x80, $0x38;
	[tilespmem:$0x18000] =	vst v63  }
0x20: {  	_ =	swait.ge [sflag:s17], $0x2000  }
0x21: {  	[sflag:s17] =	ssyncset.done $0x0  }
0x22: {  	[sflag:s17] =	ssyncadd.s32 $0xFFFFE000  }
0x23: {  	_ =	swait.ge [sflag:s17], $0x2000  }
0x24: {  	s0 =	simm.s32 $0x80;
	s2 =	simm.s32 $0x10;
	[sflag:s17] =	ssyncset.done $0x0  }
0x25: {  	s31 =	sadd.s32 $0x0, s6;
	s19 =	simm.s32 $0x180;
	[sflag:s17] =	ssyncadd.s32 $0xFFFFE000  }
.LBB2_6:
0x26: {  	[tilespmem:s0], [sflag:$0x1] =	stream.linear.gather [hbm4b:s31+s1], $0x80, $0x38;
	[tilespmem:$0x18000] =	vst v63  }
0x27: {  	s31 =	smov.u32 s2;
	s0 =	smov.u32 s19;
	p0 =	sne.s32 s2, $0x3F0  }
.Ltmp2:
0x28: {  	s2 =	sadd.s32 $0x10, s2;
	(pc) =	sbr.rel @p0 .LBB2_6-.Ltmp2, $2  }
0x29: {  	_ =	sdelay $0x2  }
0x2a: {  	s19 =	sadd.s32 $0x100, s19;
	s31 =	sadd.s32 s31, s6  }
0x2b: {  	[tilespmem:s0], [sflag:$0x1] =	stream.linear.gather [hbm4b:s31+s1], $0x80, $0x38;
	[tilespmem:$0x18000] =	vst v63  }
0x2c: {  	s0 =	simm.s32 $0x0;
	s2 =	simm.s32 $0x4080  }
.LBB2_8:
0x2d: {  	p0 =	sne.s32 s0, $0x3F0  }
.Ltmp3:
0x2e: {  	_ = 	snop;
	(pc) =	sbr.rel @p0 .LBB2_8-.Ltmp3, $4  }
0x2f: {  	_ = 	snop  }
0x30: {  	s19 =	sadd.s32 s0, s7  }
0x31: {  	[tilespmem:s2], [sflag:$0x1] =	stream.linear.gather [hbm4b:s19+s1], $0x80, $0x38;
	[tilespmem:$0x18000] =	vst v63  }
0x32: {  	s0 =	sadd.s32 $0x10, s0;
	s2 =	sadd.s32 $0x100, s2  }
0x33: {  	s0 =	simm.s32 $0x40  }
0x34: {  	v0 =	vld [tilespmem:s0+$0x30]  }
0x35: {  	s31 =	simm.s32 $0x4040;
	v1 =	vld [tilespmem:s0+$0xFFFFFFD0]  }
0x36: {  	v2 =	vld [tilespmem:s31+$0x30]  }
0x37: {  	v3 =	vld [tilespmem:s0+$0xFFFFFFE0]  }
0x38: {  	v4 =	vld [tilespmem:s0+$0xFFFFFFF0]  }
0x39: {  	v8 =	vld [tilespmem:s0+$0x0]  }
0x3a: {  	v9 =	vld [tilespmem:s0+$0x10]  }
0x3b: {  	v10 =	vld [tilespmem:s0+$0x20]  }
0x3c: {  	v6 =	vld [tilespmem:s0+$0xFFFFFFC0]  }
0x3d: {  	v11 =	vld [tilespmem:s31+$0xFFFFFFC0]  }
0x3e: {  	v12 =	vld [tilespmem:s31+$0xFFFFFFD0]  }
0x3f: {  	v7 =	vld [tilespmem:s31+$0xFFFFFFE0]  }
0x40: {  	v5 =	vld [tilespmem:s31+$0xFFFFFFF0];
	v0 =	vmul.u32 $0x2710, v0;
	v13 =	vmul.u32 $0x2710, v1  }
0x41: {  	v3 =	vmul.u32 $0x2710, v3;
	v14 =	vmul.u32 $0x2710, v6;
	v6 =	vld [tilespmem:s31+$0x0];
	v4 =	vmul.u32 $0x2710, v4  }
0x42: {  	s0 =	simm.s32 $0x8040;
	v1 =	vadd.s32 v2, v0;
	v2 =	vmul.u32 $0x2710, v8;
	v0 =	vmul.u32 $0x2710, v9;
	v8 =	vld [tilespmem:s31+$0x10]  }
0x43: {  	s2 =	simm.s32 $0x0;
	s19 =	simm.s32 $0x140;
	v11 =	vadd.s32 v11, v14;
	v9 =	vld [tilespmem:s31+$0x20];
	[tilespmem:s0+$0x30] =	vst v1;
	v1 =	vmul.u32 $0x2710, v10;
	v10 =	vadd.s32 v12, v13  }
.LBB2_10:
0x44: {  	v12 =	vld [tilespmem:s19+$0x30];
	s2 =	sadd.s32 $0x80, s2;
	[tilespmem:s0+$0xFFFFFFC0] =	vst v11;
	v3 =	vadd.s32 v7, v3  }
0x45: {  	s31 =	sadd.s32 $0x100, s31;
	v7 =	vld [tilespmem:s19+$0xFFFFFFD0];
	p0 =	slt.u32 s2, $0x1F80;
	[tilespmem:s0+$0xFFFFFFD0] =	vst v10;
	v4 =	vadd.s32 v5, v4  }
0x46: {  	v5 =	vld [tilespmem:s31+$0x30];
	[tilespmem:s0+$0xFFFFFFE0] =	vst v3;
	v2 =	vadd.s32 v6, v2  }
0x47: {  	v3 =	vld [tilespmem:s19+$0xFFFFFFE0];
	[tilespmem:s0+$0xFFFFFFF0] =	vst v4;
	v0 =	vadd.s32 v8, v0  }
0x48: {  	v4 =	vld [tilespmem:s19+$0xFFFFFFF0];
	[tilespmem:s0+$0x0] =	vst v2;
	v1 =	vadd.s32 v9, v1  }
0x49: {  	v2 =	vld [tilespmem:s19+$0x0];
	v6 =	vmul.u32 $0x2710, v12;
	[tilespmem:s0+$0x10] =	vst v0  }
0x4a: {  	v9 =	vmul.u32 $0x2710, v7;
	v0 =	vld [tilespmem:s19+$0x10];
	[tilespmem:s0+$0x20] =	vst v1  }
0x4b: {  	s0 =	sadd.s32 $0x80, s0;
	v1 =	vld [tilespmem:s19+$0x20];
	v5 =	vadd.s32 v5, v6  }
0x4c: {  	v6 =	vld [tilespmem:s19+$0xFFFFFFC0];
	v3 =	vmul.u32 $0x2710, v3;
	[tilespmem:s0+$0x30] =	vst v5  }
0x4d: {  	v10 =	vld [tilespmem:s31+$0xFFFFFFC0];
	v4 =	vmul.u32 $0x2710, v4  }
0x4e: {  	v12 =	vld [tilespmem:s31+$0xFFFFFFD0];
	v2 =	vmul.u32 $0x2710, v2  }
.Ltmp4:
0x4f: {  	v7 =	vld [tilespmem:s31+$0xFFFFFFE0];
	v0 =	vmul.u32 $0x2710, v0;
	(pc) =	sbr.rel @p0 .LBB2_10-.Ltmp4, $4  }
0x50: {  	v5 =	vld [tilespmem:s31+$0xFFFFFFF0];
	v1 =	vmul.u32 $0x2710, v1  }
0x51: {  	v11 =	vmul.u32 $0x2710, v6;
	v6 =	vld [tilespmem:s31+$0x0]  }
0x52: {  	v8 =	vld [tilespmem:s31+$0x10]  }
0x53: {  	s19 =	sadd.s32 $0x100, s19;
	v11 =	vadd.s32 v10, v11;
	v10 =	vadd.s32 v12, v9;
	v9 =	vld [tilespmem:s31+$0x20]  }
0x54: {  	[tilespmem:s0+$0xFFFFFFC0] =	vst v11  }
0x55: {  	v3 =	vadd.s32 v7, v3;
	[tilespmem:s0+$0xFFFFFFD0] =	vst v10  }
0x56: {  	v4 =	vadd.s32 v5, v4;
	[tilespmem:s0+$0xFFFFFFE0] =	vst v3  }
0x57: {  	v2 =	vadd.s32 v6, v2;
	[tilespmem:s0+$0xFFFFFFF0] =	vst v4  }
0x58: {  	v0 =	vadd.s32 v8, v0;
	[tilespmem:s0+$0x0] =	vst v2  }
0x59: {  	v1 =	vadd.s32 v9, v1;
	[tilespmem:s0+$0x10] =	vst v0  }
0x5a: {  	s19 =	simm.s32 $0x8000;
	[tilespmem:s0+$0x20] =	vst v1  }
0x5b: {  	[tilespmem:s20], [sflag:$0x2] =	stream.indirect.gather [hbm4b:s3+s18], $0x1, s19, s18, $0xb8;
	[tilespmem:$0x18000] =	vst v63  }
0x5c: {  	_ =	swait.ge [sflag:s17], $0x2000  }
0x5d: {  	[sflag:s17] =	ssyncset.done $0x0  }
0x5e: {  	[sflag:s17] =	ssyncadd.s32 $0xFFFFE000  }
0x5f: {  	_ =	swait.ge [sflag:s17], $0x2000  }
0x60: {  	s2 =	simm.s32 $0x10;
	s31 =	sadd.s32 $0x0, s8;
	[sflag:s17] =	ssyncset.done $0x0  }
0x61: {  	s0 =	simm.s32 $0x0;
	s19 =	simm.s32 $0x100;
	[sflag:s17] =	ssyncadd.s32 $0xFFFFE000  }
.LBB2_12:
0x62: {  	[tilespmem:s0], [sflag:$0x1] =	stream.linear.gather [hbm4b:s31+s1], $0x80, $0x38;
	[tilespmem:$0x18000] =	vst v63  }
0x63: {  	s31 =	smov.u32 s2;
	s0 =	smov.u32 s19;
	p0 =	sne.s32 s2, $0x3F0  }
.Ltmp5:
0x64: {  	s2 =	sadd.s32 $0x10, s2;
	(pc) =	sbr.rel @p0 .LBB2_12-.Ltmp5, $2  }
0x65: {  	_ =	sdelay $0x2  }
0x66: {  	s19 =	sadd.s32 $0x100, s19;
	s31 =	sadd.s32 s31, s8  }
0x67: {  	[tilespmem:s0], [sflag:$0x1] =	stream.linear.gather [hbm4b:s31+s1], $0x80, $0x38;
	[tilespmem:$0x18000] =	vst v63  }
0x68: {  	s0 =	simm.s32 $0x0;
	s2 =	simm.s32 $0x4000  }
.LBB2_14:
0x69: {  	p0 =	sne.s32 s0, $0x3F0  }
.Ltmp6:
0x6a: {  	_ = 	snop;
	(pc) =	sbr.rel @p0 .LBB2_14-.Ltmp6, $4  }
0x6b: {  	_ = 	snop  }
0x6c: {  	s19 =	sadd.s32 s0, s9  }
0x6d: {  	[tilespmem:s2], [sflag:$0x1] =	stream.linear.gather [hbm4b:s19+s1], $0x80, $0x38;
	[tilespmem:$0x18000] =	vst v63  }
0x6e: {  	s0 =	sadd.s32 $0x10, s0;
	s2 =	sadd.s32 $0x100, s2  }
0x6f: {  	s0 =	simm.s32 $0xF0  }
0x70: {  	v0 =	vld [tilespmem:s0+$0x0]  }
0x71: {  	s31 =	simm.s32 $0x40F0;
	v1 =	vld [tilespmem:s0+$0xFFFFFFA0]  }
0x72: {  	v2 =	vld [tilespmem:s31+$0x0]  }
0x73: {  	v3 =	vld [tilespmem:s0+$0xFFFFFFB0]  }
0x74: {  	v4 =	vld [tilespmem:s0+$0xFFFFFFC0]  }
0x75: {  	v8 =	vld [tilespmem:s0+$0xFFFFFFD0]  }
0x76: {  	v9 =	vld [tilespmem:s0+$0xFFFFFFE0]  }
0x77: {  	v10 =	vld [tilespmem:s0+$0xFFFFFFF0]  }
0x78: {  	v6 =	vld [tilespmem:s0+$0xFFFFFF90]  }
0x79: {  	v11 =	vld [tilespmem:s31+$0xFFFFFF90]  }
0x7a: {  	v12 =	vld [tilespmem:s31+$0xFFFFFFA0]  }
0x7b: {  	v7 =	vld [tilespmem:s31+$0xFFFFFFB0]  }
0x7c: {  	v5 =	vld [tilespmem:s31+$0xFFFFFFC0];
	v0 =	vmul.u32 $0x2710, v0;
	v13 =	vmul.u32 $0x2710, v1  }
0x7d: {  	v3 =	vmul.u32 $0x2710, v3;
	v14 =	vmul.u32 $0x2710, v6;
	v6 =	vld [tilespmem:s31+$0xFFFFFFD0];
	v4 =	vmul.u32 $0x2710, v4  }
0x7e: {  	s0 =	simm.s32 $0xA070;
	v1 =	vadd.s32 v2, v0;
	v2 =	vmul.u32 $0x2710, v8;
	v0 =	vmul.u32 $0x2710, v9;
	v8 =	vld [tilespmem:s31+$0xFFFFFFE0]  }
0x7f: {  	s2 =	simm.s32 $0x0;
	s19 =	simm.s32 $0x1F0;
	v11 =	vadd.s32 v11, v14;
	v9 =	vld [tilespmem:s31+$0xFFFFFFF0];
	[tilespmem:s0+$0x0] =	vst v1;
	v1 =	vmul.u32 $0x2710, v10;
	v10 =	vadd.s32 v12, v13  }
.LBB2_16:
0x80: {  	v12 =	vld [tilespmem:s19+$0x0];
	s2 =	sadd.s32 $0x80, s2;
	[tilespmem:s0+$0xFFFFFF90] =	vst v11;
	v3 =	vadd.s32 v7, v3  }
0x81: {  	s31 =	sadd.s32 $0x100, s31;
	v7 =	vld [tilespmem:s19+$0xFFFFFFA0];
	p0 =	slt.u32 s2, $0x1F80;
	[tilespmem:s0+$0xFFFFFFA0] =	vst v10;
	v4 =	vadd.s32 v5, v4  }
0x82: {  	v5 =	vld [tilespmem:s31+$0x0];
	[tilespmem:s0+$0xFFFFFFB0] =	vst v3;
	v2 =	vadd.s32 v6, v2  }
0x83: {  	v3 =	vld [tilespmem:s19+$0xFFFFFFB0];
	[tilespmem:s0+$0xFFFFFFC0] =	vst v4;
	v0 =	vadd.s32 v8, v0  }
0x84: {  	v4 =	vld [tilespmem:s19+$0xFFFFFFC0];
	[tilespmem:s0+$0xFFFFFFD0] =	vst v2;
	v1 =	vadd.s32 v9, v1  }
0x85: {  	v2 =	vld [tilespmem:s19+$0xFFFFFFD0];
	v6 =	vmul.u32 $0x2710, v12;
	[tilespmem:s0+$0xFFFFFFE0] =	vst v0  }
0x86: {  	v9 =	vmul.u32 $0x2710, v7;
	v0 =	vld [tilespmem:s19+$0xFFFFFFE0];
	[tilespmem:s0+$0xFFFFFFF0] =	vst v1  }
0x87: {  	s0 =	sadd.s32 $0x80, s0;
	v1 =	vld [tilespmem:s19+$0xFFFFFFF0];
	v5 =	vadd.s32 v5, v6  }
0x88: {  	v6 =	vld [tilespmem:s19+$0xFFFFFF90];
	v3 =	vmul.u32 $0x2710, v3;
	[tilespmem:s0+$0x0] =	vst v5  }
0x89: {  	v10 =	vld [tilespmem:s31+$0xFFFFFF90];
	v4 =	vmul.u32 $0x2710, v4  }
0x8a: {  	v12 =	vld [tilespmem:s31+$0xFFFFFFA0];
	v2 =	vmul.u32 $0x2710, v2  }
.Ltmp7:
0x8b: {  	v7 =	vld [tilespmem:s31+$0xFFFFFFB0];
	v0 =	vmul.u32 $0x2710, v0;
	(pc) =	sbr.rel @p0 .LBB2_16-.Ltmp7, $4  }
0x8c: {  	v5 =	vld [tilespmem:s31+$0xFFFFFFC0];
	v1 =	vmul.u32 $0x2710, v1  }
0x8d: {  	v11 =	vmul.u32 $0x2710, v6;
	v6 =	vld [tilespmem:s31+$0xFFFFFFD0]  }
0x8e: {  	v8 =	vld [tilespmem:s31+$0xFFFFFFE0]  }
0x8f: {  	s19 =	sadd.s32 $0x100, s19;
	v11 =	vadd.s32 v10, v11;
	v10 =	vadd.s32 v12, v9;
	v9 =	vld [tilespmem:s31+$0xFFFFFFF0]  }
0x90: {  	[tilespmem:s0+$0xFFFFFF90] =	vst v11  }
0x91: {  	v3 =	vadd.s32 v7, v3;
	[tilespmem:s0+$0xFFFFFFA0] =	vst v10  }
0x92: {  	v4 =	vadd.s32 v5, v4;
	[tilespmem:s0+$0xFFFFFFB0] =	vst v3  }
0x93: {  	v2 =	vadd.s32 v6, v2;
	[tilespmem:s0+$0xFFFFFFC0] =	vst v4  }
0x94: {  	v0 =	vadd.s32 v8, v0;
	[tilespmem:s0+$0xFFFFFFD0] =	vst v2  }
0x95: {  	v1 =	vadd.s32 v9, v1;
	[tilespmem:s0+$0xFFFFFFE0] =	vst v0  }
0x96: {  	[tilespmem:s0+$0xFFFFFFF0] =	vst v1  }
0x97: {  	[tilespmem:s22], [sflag:$0x2] =	stream.indirect.gather [hbm4b:s3+s18], $0x1, s21, s18, $0xb8;
	[tilespmem:$0x18000] =	vst v63  }
0x98: {  	_ =	swait.ge [sflag:s17], $0x2000  }
0x99: {  	[sflag:s17] =	ssyncset.done $0x0  }
0x9a: {  	[sflag:s17] =	ssyncadd.s32 $0xFFFFE000  }
0x9b: {  	_ =	swait.ge [sflag:s17], $0x2000  }
0x9c: {  	s2 =	simm.s32 $0x10;
	s31 =	sadd.s32 $0x0, s10;
	[sflag:s17] =	ssyncset.done $0x0  }
0x9d: {  	s19 =	simm.s32 $0x180;
	s0 =	simm.s32 $0x80;
	[sflag:s17] =	ssyncadd.s32 $0xFFFFE000  }
.LBB2_18:
0x9e: {  	[tilespmem:s0], [sflag:$0x1] =	stream.linear.gather [hbm4b:s31+s1], $0x80, $0x38;
	[tilespmem:$0x18000] =	vst v63  }
0x9f: {  	s31 =	smov.u32 s2;
	s0 =	smov.u32 s19;
	p0 =	sne.s32 s2, $0x3F0  }
.Ltmp8:
0xa0: {  	s2 =	sadd.s32 $0x10, s2;
	(pc) =	sbr.rel @p0 .LBB2_18-.Ltmp8, $2  }
0xa1: {  	_ =	sdelay $0x2  }
0xa2: {  	s19 =	sadd.s32 $0x100, s19;
	s31 =	sadd.s32 s31, s10  }
0xa3: {  	[tilespmem:s0], [sflag:$0x1] =	stream.linear.gather [hbm4b:s31+s1], $0x80, $0x38;
	[tilespmem:$0x18000] =	vst v63  }
0xa4: {  	s0 =	simm.s32 $0x0;
	s2 =	simm.s32 $0x4080  }
.LBB2_20:
0xa5: {  	p0 =	sne.s32 s0, $0x3F0  }
.Ltmp9:
0xa6: {  	_ = 	snop;
	(pc) =	sbr.rel @p0 .LBB2_20-.Ltmp9, $4  }
0xa7: {  	_ = 	snop  }
0xa8: {  	s19 =	sadd.s32 s0, s11  }
0xa9: {  	[tilespmem:s2], [sflag:$0x1] =	stream.linear.gather [hbm4b:s19+s1], $0x80, $0x38;
	[tilespmem:$0x18000] =	vst v63  }
0xaa: {  	s0 =	sadd.s32 $0x10, s0;
	s2 =	sadd.s32 $0x100, s2  }
0xab: {  	s0 =	simm.s32 $0x40  }
0xac: {  	v0 =	vld [tilespmem:s0+$0x30]  }
0xad: {  	s31 =	simm.s32 $0x4040;
	v1 =	vld [tilespmem:s0+$0xFFFFFFD0]  }
0xae: {  	v2 =	vld [tilespmem:s31+$0x30]  }
0xaf: {  	v3 =	vld [tilespmem:s0+$0xFFFFFFE0]  }
0xb0: {  	v4 =	vld [tilespmem:s0+$0xFFFFFFF0]  }
0xb1: {  	v8 =	vld [tilespmem:s0+$0x0]  }
0xb2: {  	v9 =	vld [tilespmem:s0+$0x10]  }
0xb3: {  	v10 =	vld [tilespmem:s0+$0x20]  }
0xb4: {  	v6 =	vld [tilespmem:s0+$0xFFFFFFC0]  }
0xb5: {  	v11 =	vld [tilespmem:s31+$0xFFFFFFC0]  }
0xb6: {  	v12 =	vld [tilespmem:s31+$0xFFFFFFD0]  }
0xb7: {  	v7 =	vld [tilespmem:s31+$0xFFFFFFE0]  }
0xb8: {  	v5 =	vld [tilespmem:s31+$0xFFFFFFF0];
	v0 =	vmul.u32 $0x2710, v0;
	v13 =	vmul.u32 $0x2710, v1  }
0xb9: {  	v3 =	vmul.u32 $0x2710, v3;
	v14 =	vmul.u32 $0x2710, v6;
	v6 =	vld [tilespmem:s31+$0x0];
	v4 =	vmul.u32 $0x2710, v4  }
0xba: {  	s0 =	simm.s32 $0xC070;
	v1 =	vadd.s32 v2, v0;
	v2 =	vmul.u32 $0x2710, v8;
	v0 =	vmul.u32 $0x2710, v9;
	v8 =	vld [tilespmem:s31+$0x10]  }
0xbb: {  	s2 =	simm.s32 $0x0;
	s19 =	simm.s32 $0x140;
	v11 =	vadd.s32 v11, v14;
	v9 =	vld [tilespmem:s31+$0x20];
	[tilespmem:s0+$0x0] =	vst v1;
	v1 =	vmul.u32 $0x2710, v10;
	v10 =	vadd.s32 v12, v13  }
.LBB2_22:
0xbc: {  	v12 =	vld [tilespmem:s19+$0x30];
	s2 =	sadd.s32 $0x80, s2;
	[tilespmem:s0+$0xFFFFFF90] =	vst v11;
	v3 =	vadd.s32 v7, v3  }
0xbd: {  	s31 =	sadd.s32 $0x100, s31;
	v7 =	vld [tilespmem:s19+$0xFFFFFFD0];
	p0 =	slt.u32 s2, $0x1F80;
	[tilespmem:s0+$0xFFFFFFA0] =	vst v10;
	v4 =	vadd.s32 v5, v4  }
0xbe: {  	v5 =	vld [tilespmem:s31+$0x30];
	[tilespmem:s0+$0xFFFFFFB0] =	vst v3;
	v2 =	vadd.s32 v6, v2  }
0xbf: {  	v3 =	vld [tilespmem:s19+$0xFFFFFFE0];
	[tilespmem:s0+$0xFFFFFFC0] =	vst v4;
	v0 =	vadd.s32 v8, v0  }
0xc0: {  	v4 =	vld [tilespmem:s19+$0xFFFFFFF0];
	[tilespmem:s0+$0xFFFFFFD0] =	vst v2;
	v1 =	vadd.s32 v9, v1  }
0xc1: {  	v2 =	vld [tilespmem:s19+$0x0];
	v6 =	vmul.u32 $0x2710, v12;
	[tilespmem:s0+$0xFFFFFFE0] =	vst v0  }
0xc2: {  	v9 =	vmul.u32 $0x2710, v7;
	v0 =	vld [tilespmem:s19+$0x10];
	[tilespmem:s0+$0xFFFFFFF0] =	vst v1  }
0xc3: {  	s0 =	sadd.s32 $0x80, s0;
	v1 =	vld [tilespmem:s19+$0x20];
	v5 =	vadd.s32 v5, v6  }
0xc4: {  	v6 =	vld [tilespmem:s19+$0xFFFFFFC0];
	v3 =	vmul.u32 $0x2710, v3;
	[tilespmem:s0+$0x0] =	vst v5  }
0xc5: {  	v10 =	vld [tilespmem:s31+$0xFFFFFFC0];
	v4 =	vmul.u32 $0x2710, v4  }
0xc6: {  	v12 =	vld [tilespmem:s31+$0xFFFFFFD0];
	v2 =	vmul.u32 $0x2710, v2  }
.Ltmp10:
0xc7: {  	v7 =	vld [tilespmem:s31+$0xFFFFFFE0];
	v0 =	vmul.u32 $0x2710, v0;
	(pc) =	sbr.rel @p0 .LBB2_22-.Ltmp10, $4  }
0xc8: {  	v5 =	vld [tilespmem:s31+$0xFFFFFFF0];
	v1 =	vmul.u32 $0x2710, v1  }
0xc9: {  	v11 =	vmul.u32 $0x2710, v6;
	v6 =	vld [tilespmem:s31+$0x0]  }
0xca: {  	v8 =	vld [tilespmem:s31+$0x10]  }
0xcb: {  	s19 =	sadd.s32 $0x100, s19;
	v11 =	vadd.s32 v10, v11;
	v10 =	vadd.s32 v12, v9;
	v9 =	vld [tilespmem:s31+$0x20]  }
0xcc: {  	[tilespmem:s0+$0xFFFFFF90] =	vst v11  }
0xcd: {  	v3 =	vadd.s32 v7, v3;
	[tilespmem:s0+$0xFFFFFFA0] =	vst v10  }
0xce: {  	v4 =	vadd.s32 v5, v4;
	[tilespmem:s0+$0xFFFFFFB0] =	vst v3  }
0xcf: {  	v2 =	vadd.s32 v6, v2;
	[tilespmem:s0+$0xFFFFFFC0] =	vst v4  }
0xd0: {  	v0 =	vadd.s32 v8, v0;
	[tilespmem:s0+$0xFFFFFFD0] =	vst v2  }
0xd1: {  	v1 =	vadd.s32 v9, v1;
	[tilespmem:s0+$0xFFFFFFE0] =	vst v0  }
0xd2: {  	[tilespmem:s0+$0xFFFFFFF0] =	vst v1  }
0xd3: {  	[tilespmem:s24], [sflag:$0x2] =	stream.indirect.gather [hbm4b:s3+s18], $0x1, s23, s18, $0xb8;
	[tilespmem:$0x18000] =	vst v63  }
0xd4: {  	_ =	swait.ge [sflag:s17], $0x2000  }
0xd5: {  	[sflag:s17] =	ssyncset.done $0x0  }
0xd6: {  	[sflag:s17] =	ssyncadd.s32 $0xFFFFE000  }
0xd7: {  	_ =	swait.ge [sflag:s17], $0x2000  }
0xd8: {  	[sflag:s17] =	ssyncset.done $0x0  }
0xd9: {  	s19 =	simm.s32 $0xF0;
	[sflag:s17] =	ssyncadd.s32 $0xFFFFE000  }
0xda: {  	v0 =	vld [tilespmem:s19+$0x0]  }
0xdb: {  	s31 =	simm.s32 $0x40F0;
	v1 =	vld [tilespmem:s19+$0xFFFFFFA0]  }
0xdc: {  	v2 =	vld [tilespmem:s31+$0x0]  }
0xdd: {  	v3 =	vld [tilespmem:s19+$0xFFFFFFB0]  }
0xde: {  	v4 =	vld [tilespmem:s19+$0xFFFFFFC0]  }
0xdf: {  	v8 =	vld [tilespmem:s19+$0xFFFFFFD0]  }
0xe0: {  	v9 =	vld [tilespmem:s19+$0xFFFFFFE0]  }
0xe1: {  	v10 =	vld [tilespmem:s19+$0xFFFFFFF0]  }
0xe2: {  	v6 =	vld [tilespmem:s19+$0xFFFFFF90]  }
0xe3: {  	v11 =	vld [tilespmem:s31+$0xFFFFFF90]  }
0xe4: {  	v12 =	vld [tilespmem:s31+$0xFFFFFFA0]  }
0xe5: {  	v7 =	vld [tilespmem:s31+$0xFFFFFFB0]  }
0xe6: {  	v5 =	vld [tilespmem:s31+$0xFFFFFFC0];
	v0 =	vmul.u32 $0x2710, v0;
	v13 =	vmul.u32 $0x2710, v1  }
0xe7: {  	v3 =	vmul.u32 $0x2710, v3;
	v14 =	vmul.u32 $0x2710, v6;
	v6 =	vld [tilespmem:s31+$0xFFFFFFD0];
	v4 =	vmul.u32 $0x2710, v4  }
0xe8: {  	s0 =	simm.s32 $0xE070;
	v1 =	vadd.s32 v2, v0;
	v2 =	vmul.u32 $0x2710, v8;
	v0 =	vmul.u32 $0x2710, v9;
	v8 =	vld [tilespmem:s31+$0xFFFFFFE0]  }
0xe9: {  	s2 =	simm.s32 $0x0;
	s19 =	simm.s32 $0x1F0;
	v11 =	vadd.s32 v11, v14;
	v9 =	vld [tilespmem:s31+$0xFFFFFFF0];
	[tilespmem:s0+$0x0] =	vst v1;
	v1 =	vmul.u32 $0x2710, v10;
	v10 =	vadd.s32 v12, v13  }
.LBB2_24:
0xea: {  	v12 =	vld [tilespmem:s19+$0x0];
	s2 =	sadd.s32 $0x80, s2;
	[tilespmem:s0+$0xFFFFFF90] =	vst v11;
	v3 =	vadd.s32 v7, v3  }
0xeb: {  	s31 =	sadd.s32 $0x100, s31;
	v7 =	vld [tilespmem:s19+$0xFFFFFFA0];
	p0 =	slt.u32 s2, $0x1F80;
	[tilespmem:s0+$0xFFFFFFA0] =	vst v10;
	v4 =	vadd.s32 v5, v4  }
0xec: {  	v5 =	vld [tilespmem:s31+$0x0];
	[tilespmem:s0+$0xFFFFFFB0] =	vst v3;
	v2 =	vadd.s32 v6, v2  }
0xed: {  	v3 =	vld [tilespmem:s19+$0xFFFFFFB0];
	[tilespmem:s0+$0xFFFFFFC0] =	vst v4;
	v0 =	vadd.s32 v8, v0  }
0xee: {  	v4 =	vld [tilespmem:s19+$0xFFFFFFC0];
	[tilespmem:s0+$0xFFFFFFD0] =	vst v2;
	v1 =	vadd.s32 v9, v1  }
0xef: {  	v2 =	vld [tilespmem:s19+$0xFFFFFFD0];
	v6 =	vmul.u32 $0x2710, v12;
	[tilespmem:s0+$0xFFFFFFE0] =	vst v0  }
0xf0: {  	v9 =	vmul.u32 $0x2710, v7;
	v0 =	vld [tilespmem:s19+$0xFFFFFFE0];
	[tilespmem:s0+$0xFFFFFFF0] =	vst v1  }
0xf1: {  	s0 =	sadd.s32 $0x80, s0;
	v1 =	vld [tilespmem:s19+$0xFFFFFFF0];
	v5 =	vadd.s32 v5, v6  }
0xf2: {  	v6 =	vld [tilespmem:s19+$0xFFFFFF90];
	v3 =	vmul.u32 $0x2710, v3;
	[tilespmem:s0+$0x0] =	vst v5  }
0xf3: {  	v10 =	vld [tilespmem:s31+$0xFFFFFF90];
	v4 =	vmul.u32 $0x2710, v4  }
0xf4: {  	v12 =	vld [tilespmem:s31+$0xFFFFFFA0];
	v2 =	vmul.u32 $0x2710, v2  }
.Ltmp11:
0xf5: {  	v7 =	vld [tilespmem:s31+$0xFFFFFFB0];
	v0 =	vmul.u32 $0x2710, v0;
	(pc) =	sbr.rel @p0 .LBB2_24-.Ltmp11, $4  }
0xf6: {  	v5 =	vld [tilespmem:s31+$0xFFFFFFC0];
	v1 =	vmul.u32 $0x2710, v1  }
0xf7: {  	v11 =	vmul.u32 $0x2710, v6;
	v6 =	vld [tilespmem:s31+$0xFFFFFFD0]  }
0xf8: {  	v8 =	vld [tilespmem:s31+$0xFFFFFFE0]  }
0xf9: {  	s19 =	sadd.s32 $0x100, s19;
	v11 =	vadd.s32 v10, v11;
	v10 =	vadd.s32 v12, v9;
	v9 =	vld [tilespmem:s31+$0xFFFFFFF0]  }
0xfa: {  	[tilespmem:s0+$0xFFFFFF90] =	vst v11  }
0xfb: {  	v3 =	vadd.s32 v7, v3;
	[tilespmem:s0+$0xFFFFFFA0] =	vst v10  }
0xfc: {  	v4 =	vadd.s32 v5, v4;
	[tilespmem:s0+$0xFFFFFFB0] =	vst v3  }
0xfd: {  	v2 =	vadd.s32 v6, v2;
	[tilespmem:s0+$0xFFFFFFC0] =	vst v4  }
0xfe: {  	v0 =	vadd.s32 v8, v0;
	[tilespmem:s0+$0xFFFFFFD0] =	vst v2  }
0xff: {  	v1 =	vadd.s32 v9, v1;
	[tilespmem:s0+$0xFFFFFFE0] =	vst v0  }
0x100: {  	[tilespmem:s0+$0xFFFFFFF0] =	vst v1  }
0x101: {  	[tilespmem:s26], [sflag:$0x2] =	stream.indirect.gather [hbm4b:s3+s18], $0x1, s25, s18, $0xb8;
	[tilespmem:$0x18000] =	vst v63  }
0x102: {  	_ =	swait.ge [sflag:s28], $0x2000  }
0x103: {  	[sflag:s28] =	ssyncset.done $0x0  }
0x104: {  	[sflag:s28] =	ssyncadd.s32 $0xFFFFE000  }
0x105: {  	[hbm4b:s12+s1] =	stream.linear.scatter [tilespmem:s20], [sflag:$0x3], $0x2000, $0x38;
	[tilespmem:$0x18000] =	vst v63  }
0x106: {  	_ =	swait.ge [sflag:s28], $0x2000  }
0x107: {  	[sflag:s28] =	ssyncset.done $0x0  }
0x108: {  	[sflag:s28] =	ssyncadd.s32 $0xFFFFE000  }
0x109: {  	[hbm4b:s13+s1] =	stream.linear.scatter [tilespmem:s22], [sflag:$0x3], $0x2000, $0x38;
	[tilespmem:$0x18000] =	vst v63  }
0x10a: {  	_ =	swait.ge [sflag:s28], $0x2000  }
0x10b: {  	[sflag:s28] =	ssyncset.done $0x0  }
0x10c: {  	[sflag:s28] =	ssyncadd.s32 $0xFFFFE000  }
0x10d: {  	[hbm4b:s14+s1] =	stream.linear.scatter [tilespmem:s24], [sflag:$0x3], $0x2000, $0x38;
	[tilespmem:$0x18000] =	vst v63  }
0x10e: {  	_ =	swait.ge [sflag:s28], $0x2000  }
0x10f: {  	[sflag:s28] =	ssyncset.done $0x0  }
0x110: {  	[sflag:s28] =	ssyncadd.s32 $0xFFFFE000  }
0x111: {  	[hbm4b:s15+s1] =	stream.linear.scatter [tilespmem:s26], [sflag:$0x3], $0x2000, $0x38;
	[tilespmem:$0x18000] =	vst v63  }
0x112: {  	_ =	swait.ge [sflag:s29], $0x2000  }
0x113: {  	[sflag:s29] =	ssyncset.done $0x0  }
0x114: {  	[sflag:s29] =	ssyncadd.s32 $0xFFFFE000  }
0x115: {  	_ =	swait.ge [sflag:s29], $0x2000  }
0x116: {  	[sflag:s29] =	ssyncset.done $0x0  }
0x117: {  	s30 =	sadd.s32 $0x1, s30;
	[sflag:s29] =	ssyncadd.s32 $0xFFFFE000  }
0x118: {  	p0 =	sne.s32 s30, s16;
	_ =	swait.ge [sflag:s29], $0x2000  }
.Ltmp12:
0x119: {  	[sflag:s29] =	ssyncset.done $0x0;
	(pc) =	sbr.rel @p0 .LBB2_1-.Ltmp12, $4  }
0x11a: {  	[sflag:s29] =	ssyncadd.s32 $0xFFFFE000  }
0x11b: {  	_ =	swait.ge [sflag:s29], $0x2000  }
0x11c: {  	[sflag:s29] =	ssyncset.done $0x0  }
0x11d: {  	[sflag:s29] =	ssyncadd.s32 $0xFFFFE000  }
0x11e: {  	_ =	sfence.sel $0x180000  }
0x11f: {  	[bflag:$0x0] =	sbarrier.arrive $0xFFFF  }
0x120: {  	_ =	strace $0x90000047  }
0x121: {  	s0 =	stileid.u32;
	[bflag:$0x2] =	sbarrier.arrive $0xFFFF  }
0x122: {  	p0 =	sne.s32 s0, $0x0;
	s0 =	rddreg [dreg:$0x1]  }
0x123: {  	s0 =	sadd.s32 @!p0 $0x100000, s0  }
0x124: {  	[sflag:s0] =	ssyncadd.tile.s32 @!p0 $0x1;
	_ =	shalt  }
.Lfunc_end2:
_tile_overlayer_lowered:
.L_overlay_start_2:
0x125: {  	(tag) =	ssettag $0x2  }
0x126: {  	s0 =	rddreg [dreg:$0x0];
	s2 =	stileid.u32  }
0x127: {  	s1 =	rddreg [dreg:$0x1];
	p0 =	sne.s32 s2, $0x0  }
0x128: {  	s3 =	rddreg [dreg:$0x2];
	[bflag:$0x3] =	sbarrier.arrive $0xFFFF;
	s2 =	simm.s32 @!p0 $0x1C04  }
0x129: {  	[timem:s3], [sflag:s2] =	dma.local @!p0 [hbm:s0], s1  }
0x12a: {  	s0 =	simm.s32 @!p0 $0x4  }
0x12b: {  	_ =	swait.ge @!p0 [sflag:s0], s1  }
0x12c: {  	s1 =	ssub.s32 @!p0 $0x0, s1;
	[sflag:s0] =	ssyncset.done @!p0 $0x0  }
0x12d: {  	[sflag:s0] =	ssyncadd.s32 @!p0 s1  }
0x12e: {  	[bflag:$0x3] =	sbarrier.arrive $0xFFFF  }
0x12f: {  	_ =	shalt  }

</sc_bundles>
